<compile_context>
chip_gen: v7x
topology: tpu7x:2x2x1
jax: 0.10.2.dev20260603
libtpu: 0.0.44.dev20260713+nightly
codegen_flags: <defaults>
</compile_context>

<pallas_src>
import jax
import jax.numpy as jnp
import numpy as np
from jax import lax
from jax.experimental import pallas as pl
from jax.experimental.pallas import tpu as pltpu
from jax.experimental.pallas import tpu_sc as plsc

_N, _E, _D, _C, _L = 10000, 320000, 128, 16, 3
_NC, _NS = 2, 16
_NW = _NC * _NS
_CHUNK = 96
_NCH = 106
_EPAD = _CHUNK * _NCH * _NW
_NPAD = 10112
_RPT = _NPAD // _NS
_BR = 1000

_PIDX = np.arange(_EPAD - _E, dtype=np.int32)
_PADS = np.stack([_PIDX % _N,
                  _N + _PIDX % (_NPAD - _N)]).astype(np.int32)
_ZEROS = np.zeros((_RPT, _D), np.float32)



def _sc_scatter_body(m_hbm, src_hbm, dst_hbm, zeros_hbm, out0, out1,
                     src_v, dst_v, rows0, rows1, sem0a, sem0b, sem1a, sem1b,
                     agg_sp):
    c = lax.axis_index("c")
    s = lax.axis_index("s")
    wid = s * _NC + c
    row0 = s * _RPT
    pltpu.sync_copy(zeros_hbm, agg_sp.at[pl.ds(row0, _RPT)])
    pltpu.sync_copy(src_hbm.at[wid], src_v)
    pltpu.sync_copy(dst_hbm.at[wid], dst_v)
    plsc.subcore_barrier()

    _H = _CHUNK // 2

    def _issue(j, rv, sa, sb):
        pltpu.async_copy(
            m_hbm.at[src_v.at[pl.ds(j * _CHUNK, _H)]], rv.at[pl.ds(0, _H)], sa)
        pltpu.async_copy(
            m_hbm.at[src_v.at[pl.ds(j * _CHUNK + _H, _H)]],
            rv.at[pl.ds(_H, _H)], sb)

    def _wait(j, rv, sa, sb):
        pltpu.make_async_copy(
            m_hbm.at[src_v.at[pl.ds(j * _CHUNK, _H)]], rv.at[pl.ds(0, _H)],
            sa).wait()
        pltpu.make_async_copy(
            m_hbm.at[src_v.at[pl.ds(j * _CHUNK + _H, _H)]],
            rv.at[pl.ds(_H, _H)], sb).wait()

    _issue(0, rows0, sem0a, sem0b)

    def body(g, carry):
        for b, rv, sa, sb, rvn, sna, snb in (
                (0, rows0, sem0a, sem0b, rows1, sem1a, sem1b),
                (1, rows1, sem1a, sem1b, rows0, sem0a, sem0b)):
            j = 2 * g + b
            nxt = j + 1

            @pl.when(nxt < _NCH)
            def _(rvn=rvn, sna=sna, snb=snb, nxt=nxt):
                _issue(nxt, rvn, sna, snb)

            _wait(j, rv, sa, sb)
            pltpu.sync_copy(rv, agg_sp.at[dst_v.at[j]], add=True)
        return carry

    lax.fori_loop(0, _NCH // 2, body, 0)
    plsc.subcore_barrier()

    @pl.when(c == 0)
    def _():
        pltpu.sync_copy(agg_sp.at[pl.ds(row0, _RPT)], out0.at[pl.ds(row0, _RPT)])

    @pl.when(c == 1)
    def _():
        pltpu.sync_copy(agg_sp.at[pl.ds(row0, _RPT)], out1.at[pl.ds(row0, _RPT)])


def _sc_scatter(m, src_t, dst_t, zeros):
    f = pl.kernel(
        _sc_scatter_body,
        out_type=(jax.ShapeDtypeStruct((_NPAD, _D), jnp.float32),
                  jax.ShapeDtypeStruct((_NPAD, _D), jnp.float32)),
        mesh=plsc.VectorSubcoreMesh(core_axis_name="c", subcore_axis_name="s"),
        scratch_types=[
            pltpu.VMEM((_NCH * _CHUNK,), jnp.int32),
            pltpu.VMEM((_NCH, _CHUNK), jnp.int32),
            pltpu.VMEM((_CHUNK, _D), jnp.float32),
            pltpu.VMEM((_CHUNK, _D), jnp.float32),
            pltpu.SemaphoreType.DMA,
            pltpu.SemaphoreType.DMA,
            pltpu.SemaphoreType.DMA,
            pltpu.SemaphoreType.DMA,
            pltpu.VMEM_SHARED((_NPAD, _D), jnp.float32),
        ],
    )
    return f(m, src_t, dst_t, zeros)



def _mm_body(x_ref, w_ref, o_ref):
    o_ref[...] = jnp.dot(x_ref[...], w_ref[...],
                         preferred_element_type=jnp.float32)


def _dex_body(ei_ref, pad_ref, src_ref, dst_ref):
    src_ref[...] = jnp.concatenate([ei_ref[0, :], pad_ref[0, :]])
    dst_ref[...] = jnp.concatenate([ei_ref[1, :], pad_ref[1, :]])


def _dex(ei, pads):
    return pl.pallas_call(
        _dex_body,
        out_shape=(jax.ShapeDtypeStruct((_EPAD,), jnp.int32),
                   jax.ShapeDtypeStruct((_EPAD,), jnp.int32)),
    )(ei, pads)


def _gru_math(a0, a1, h, wih, whh, bih, bhh):
    agg = a0[...] + a1[...]
    hh = h[...]
    gi = lax.dot_general(agg, wih[...], (((1,), (1,)), ((), ())),
                         preferred_element_type=jnp.float32) + bih[...]
    gh = lax.dot_general(hh, whh[...], (((1,), (1,)), ((), ())),
                         preferred_element_type=jnp.float32) + bhh[...]
    r = jax.nn.sigmoid(gi[:, :_D] + gh[:, :_D])
    z = jax.nn.sigmoid(gi[:, _D:2 * _D] + gh[:, _D:2 * _D])
    n = jnp.tanh(gi[:, 2 * _D:] + r * gh[:, 2 * _D:])
    return (1.0 - z) * n + z * hh


def _gru_body(a0, a1, h, wih, whh, bih, bhh, wnext, hn_ref, mn_ref):
    hnew = _gru_math(a0, a1, h, wih, whh, bih, bhh)
    hn_ref[...] = hnew
    mn_ref[...] = jnp.dot(hnew, wnext[...], preferred_element_type=jnp.float32)


def _final_body(a0, a1, h, wih, whh, bih, bhh, linw, linb, o_ref):
    hnew = _gru_math(a0, a1, h, wih, whh, bih, bhh)
    logits = lax.dot_general(hnew, linw[...], (((1,), (1,)), ((), ())),
                             preferred_element_type=jnp.float32) + linb[...]
    mx = jnp.max(logits, axis=1, keepdims=True)
    sh = logits - mx
    o_ref[...] = sh - jnp.log(jnp.sum(jnp.exp(sh), axis=1, keepdims=True))


def _row_spec(d):
    return pl.BlockSpec((_BR, d), lambda i: (i, 0))


def _full_spec(shape):
    nd = len(shape)
    return pl.BlockSpec(shape, lambda i: (0,) * nd)


def _mm(x, w):
    return pl.pallas_call(
        _mm_body,
        grid=(_N // _BR,),
        in_specs=[_row_spec(_D), _full_spec((_D, _D))],
        out_specs=_row_spec(_D),
        out_shape=jax.ShapeDtypeStruct((_N, _D), jnp.float32),
    )(x, w)


def _gru(p0, p1, h, wih, whh, bih, bhh, wnext):
    return pl.pallas_call(
        _gru_body,
        grid=(_N // _BR,),
        in_specs=[_row_spec(_D), _row_spec(_D), _row_spec(_D),
                  _full_spec((3 * _D, _D)), _full_spec((3 * _D, _D)),
                  _full_spec((1, 3 * _D)), _full_spec((1, 3 * _D)),
                  _full_spec((_D, _D))],
        out_specs=(_row_spec(_D), _row_spec(_D)),
        out_shape=(jax.ShapeDtypeStruct((_N, _D), jnp.float32),
                   jax.ShapeDtypeStruct((_N, _D), jnp.float32)),
    )(p0, p1, h, wih, whh, bih, bhh, wnext)


def _final(p0, p1, h, wih, whh, bih, bhh, linw, linb):
    return pl.pallas_call(
        _final_body,
        grid=(_N // _BR,),
        in_specs=[_row_spec(_D), _row_spec(_D), _row_spec(_D),
                  _full_spec((3 * _D, _D)), _full_spec((3 * _D, _D)),
                  _full_spec((1, 3 * _D)), _full_spec((1, 3 * _D)),
                  _full_spec((_C, _D)), _full_spec((1, _C))],
        out_specs=_row_spec(_C),
        out_shape=jax.ShapeDtypeStruct((_N, _C), jnp.float32),
    )(p0, p1, h, wih, whh, bih, bhh, linw, linb)



def kernel(x, edge_index, W, W_ih, W_hh, b_ih, b_hh, lin_W, lin_b):
    src_p, dst_p = _dex(edge_index, _PADS)
    src_t = src_p.reshape(_NW, _NCH * _CHUNK)
    dst_t = dst_p.reshape(_NW, _NCH, _CHUNK)
    zeros = _ZEROS
    bih2 = b_ih.reshape(1, 3 * _D)
    bhh2 = b_hh.reshape(1, 3 * _D)
    linb2 = lin_b.reshape(1, _C)

    h = x
    m = _mm(x, W[0])
    for i in range(_L - 1):
        p0, p1 = _sc_scatter(m, src_t, dst_t, zeros)
        h, m = _gru(p0, p1, h, W_ih, W_hh, bih2, bhh2, W[i + 1])
    p0, p1 = _sc_scatter(m, src_t, dst_t, zeros)
    return _final(p0, p1, h, W_ih, W_hh, bih2, bhh2, lin_W, linb2)

# --- scband reference (transcript-rebuilt; emitter-appended) ---
"""Pipeline reference for scband-urban-gnn-13511967113428 (READ-ONLY COPY).

The authoritative reference and input builder live on the scoring server;
editing this copy changes nothing except your own understanding.
"""

import jax, jax.numpy as jnp
import numpy as np

N, E, D, C, L = 10000, 320000, 128, 16, 3

def setup_inputs(seed: int = 0) -> dict:
    key = jax.random.key(seed)
    ks = jax.random.split(key, 10)
    x = jax.random.normal(ks[0], (N, D), dtype=jnp.float32)
    edge_index = jax.random.randint(ks[1], (2, E), 0, N, dtype=jnp.int32)
    s = 1.0 / np.sqrt(D)
    W = jax.random.normal(ks[2], (L, D, D), dtype=jnp.float32) * s
    W_ih = jax.random.normal(ks[3], (3 * D, D), dtype=jnp.float32) * s
    W_hh = jax.random.normal(ks[4], (3 * D, D), dtype=jnp.float32) * s
    b_ih = jax.random.normal(ks[5], (3 * D,), dtype=jnp.float32) * s
    b_hh = jax.random.normal(ks[6], (3 * D,), dtype=jnp.float32) * s
    lin_W = jax.random.normal(ks[7], (C, D), dtype=jnp.float32) * s
    lin_b = jnp.zeros((C,), dtype=jnp.float32)
    return {"x": x, "edge_index": edge_index, "W": W, "W_ih": W_ih, "W_hh": W_hh,
            "b_ih": b_ih, "b_hh": b_hh, "lin_W": lin_W, "lin_b": lin_b}

def _gru_cell(m, h, W_ih, W_hh, b_ih, b_hh):
    gi = m @ W_ih.T + b_ih
    gh = h @ W_hh.T + b_hh
    i_r, i_z, i_n = jnp.split(gi, 3, axis=1)
    h_r, h_z, h_n = jnp.split(gh, 3, axis=1)
    r = jax.nn.sigmoid(i_r + h_r)
    z = jax.nn.sigmoid(i_z + h_z)
    n = jnp.tanh(i_n + r * h_n)
    return (1.0 - z) * n + z * h

def reference(x, edge_index, W, W_ih, W_hh, b_ih, b_hh, lin_W, lin_b):
    # GatedGraphConv: in_channels == out_channels so no zero-padding needed.
    src = edge_index[0]
    dst = edge_index[1]
    h = x
    for i in range(L):
        m = h @ W[i]                                   # per-layer linear transform
        msg = jnp.take(m, src, axis=0)                 # gather messages from source nodes
        agg = jnp.zeros_like(m).at[dst].add(msg)       # scatter-add aggregation at targets
        h = _gru_cell(agg, h, W_ih, W_hh, b_ih, b_hh)  # GRU update
    out = h @ lin_W.T + lin_b
    return jax.nn.log_softmax(out, axis=1)

if __name__ == "__main__":
    import jax
    _d = setup_inputs()
    print(jax.jit(kernel)(*tuple(_d.values())))

</pallas_src>

<mosaic_0001>
#map = affine_map<(d0, d1) -> (0, 0)>
#map1 = affine_map<(d0, d1) -> (0, 0, 0)>
module attributes {stable_mosaic.version = 14 : i64} {
  func.func @_sc_scatter_body(%arg0: i32, %arg1: i32, %arg2: memref<10000x128xf32, #tpu.memory_space<hbm>>, %arg3: memref<32x10176xi32, #tpu.memory_space<hbm>>, %arg4: memref<32x106x96xi32, #tpu.memory_space<hbm>>, %arg5: memref<632x128xf32, #tpu.memory_space<hbm>>, %arg6: memref<10112x128xf32, #tpu.memory_space<hbm>>, %arg7: memref<10112x128xf32, #tpu.memory_space<hbm>>, %arg8: memref<10176xi32, #tpu.memory_space<vmem>>, %arg9: memref<106x96xi32, #tpu.memory_space<vmem>>, %arg10: memref<96x128xf32, #tpu.memory_space<vmem>>, %arg11: memref<96x128xf32, #tpu.memory_space<vmem>>, %arg12: memref<!tpu.dma_semaphore, #tpu.memory_space<semaphore_mem>>, %arg13: memref<!tpu.dma_semaphore, #tpu.memory_space<semaphore_mem>>, %arg14: memref<!tpu.dma_semaphore, #tpu.memory_space<semaphore_mem>>, %arg15: memref<!tpu.dma_semaphore, #tpu.memory_space<semaphore_mem>>, %arg16: memref<10112x128xf32, #tpu.memory_space<vmem_shared>>) attributes {dimension_semantics = [#tpu.dimension_semantics<core_parallel>, #tpu.dimension_semantics<subcore_parallel>], iteration_bounds = array<i64: 2, 16>, scalar_prefetch = 0 : i64, scratch_operands = 9 : i64, tpu.core_type = #tpu.core_type<sc_vector_subcore>, window_params = [{transform_indices = #map}, {transform_indices = #map}, {transform_indices = #map1}, {transform_indices = #map}, {transform_indices = #map}, {transform_indices = #map}]} {
    %mul3A = arith.constant 2 : i32
    %mul3A_0 = arith.muli %arg1, %mul3A : i32
    %add3A = arith.addi %mul3A_0, %arg0 : i32
    %mul3A_1 = arith.constant 632 : i32
    %mul3A_2 = arith.muli %arg1, %mul3A_1 : i32
    "tpu.region"() ({
      %run_scoped3A = tpu.sem_alloc : memref<!tpu.dma_semaphore, #tpu.memory_space<semaphore_mem>>
      %dma_start3A_31 = arith.constant 0 : i32
      %dma_start3A_32 = tpu.memref_slice %arg16[%mul3A_2, %dma_start3A_31] : memref<10112x128xf32, #tpu.memory_space<vmem_shared>> -> memref<632x128xf32, #tpu.memory_space<vmem_shared>>
      tpu.enqueue_dma source(%arg5 : memref<632x128xf32, #tpu.memory_space<hbm>>) target(%dma_start3A_32 : memref<632x128xf32, #tpu.memory_space<vmem_shared>>) target_semaphore(%run_scoped3A : memref<!tpu.dma_semaphore, #tpu.memory_space<semaphore_mem>>)
      %dma_wait3A = arith.constant 0 : i32
      %dma_wait3A_33 = tpu.memref_slice %arg16[%mul3A_2, %dma_wait3A] : memref<10112x128xf32, #tpu.memory_space<vmem_shared>> -> memref<632x128xf32, #tpu.memory_space<vmem_shared>>
      tpu.wait_dma2 semaphore(%run_scoped3A : memref<!tpu.dma_semaphore, #tpu.memory_space<semaphore_mem>>) src(%arg5 : memref<632x128xf32, #tpu.memory_space<hbm>>) dst(%dma_wait3A_33 : memref<632x128xf32, #tpu.memory_space<vmem_shared>>)
      tpu.yield
    }) : () -> ()
    "tpu.region"() ({
      %run_scoped3A = tpu.sem_alloc : memref<!tpu.dma_semaphore, #tpu.memory_space<semaphore_mem>>
      %dma_start3A_31 = arith.constant 0 : i32
      %dma_start3A_32 = tpu.memref_slice %arg3[%add3A, %dma_start3A_31] : memref<32x10176xi32, #tpu.memory_space<hbm>> -> memref<1x10176xi32, #tpu.memory_space<hbm>>
      %dma_start3A_33 = tpu.memref_squeeze %dma_start3A_32 : memref<1x10176xi32, #tpu.memory_space<hbm>> -> memref<10176xi32, #tpu.memory_space<hbm>>
      %dma_start3A_34 = arith.constant 0 : i32
      %dma_start3A_35 = tpu.memref_slice %arg3[%add3A, %dma_start3A_34] : memref<32x10176xi32, #tpu.memory_space<hbm>> -> memref<1x10176xi32, #tpu.memory_space<hbm>>
      %dma_start3A_36 = tpu.memref_squeeze %dma_start3A_35 : memref<1x10176xi32, #tpu.memory_space<hbm>> -> memref<10176xi32, #tpu.memory_space<hbm>>
      tpu.enqueue_dma source(%dma_start3A_36 : memref<10176xi32, #tpu.memory_space<hbm>>) target(%arg8 : memref<10176xi32, #tpu.memory_space<vmem>>) target_semaphore(%run_scoped3A : memref<!tpu.dma_semaphore, #tpu.memory_space<semaphore_mem>>)
      %dma_wait3A = arith.constant 0 : i32
      %dma_wait3A_37 = tpu.memref_slice %arg3[%add3A, %dma_wait3A] : memref<32x10176xi32, #tpu.memory_space<hbm>> -> memref<1x10176xi32, #tpu.memory_space<hbm>>
      %dma_wait3A_38 = tpu.memref_squeeze %dma_wait3A_37 : memref<1x10176xi32, #tpu.memory_space<hbm>> -> memref<10176xi32, #tpu.memory_space<hbm>>
      %dma_wait3A_39 = arith.constant 0 : i32
      %dma_wait3A_40 = tpu.memref_slice %arg3[%add3A, %dma_wait3A_39] : memref<32x10176xi32, #tpu.memory_space<hbm>> -> memref<1x10176xi32, #tpu.memory_space<hbm>>
      %dma_wait3A_41 = tpu.memref_squeeze %dma_wait3A_40 : memref<1x10176xi32, #tpu.memory_space<hbm>> -> memref<10176xi32, #tpu.memory_space<hbm>>
      tpu.wait_dma2 semaphore(%run_scoped3A : memref<!tpu.dma_semaphore, #tpu.memory_space<semaphore_mem>>) src(%dma_wait3A_41 : memref<10176xi32, #tpu.memory_space<hbm>>) dst(%arg8 : memref<10176xi32, #tpu.memory_space<vmem>>)
      tpu.yield
    }) : () -> ()
    "tpu.region"() ({
      %run_scoped3A = tpu.sem_alloc : memref<!tpu.dma_semaphore, #tpu.memory_space<semaphore_mem>>
      %dma_start3A_31 = arith.constant 0 : i32
      %dma_start3A_32 = arith.constant 0 : i32
      %dma_start3A_33 = tpu.memref_slice %arg4[%add3A, %dma_start3A_31, %dma_start3A_32] : memref<32x106x96xi32, #tpu.memory_space<hbm>> -> memref<1x106x96xi32, #tpu.memory_space<hbm>>
      %dma_start3A_34 = tpu.memref_squeeze %dma_start3A_33 : memref<1x106x96xi32, #tpu.memory_space<hbm>> -> memref<106x96xi32, #tpu.memory_space<hbm>>
      %dma_start3A_35 = arith.constant 0 : i32
      %dma_start3A_36 = arith.constant 0 : i32
      %dma_start3A_37 = tpu.memref_slice %arg4[%add3A, %dma_start3A_35, %dma_start3A_36] : memref<32x106x96xi32, #tpu.memory_space<hbm>> -> memref<1x106x96xi32, #tpu.memory_space<hbm>>
      %dma_start3A_38 = tpu.memref_squeeze %dma_start3A_37 : memref<1x106x96xi32, #tpu.memory_space<hbm>> -> memref<106x96xi32, #tpu.memory_space<hbm>>
      tpu.enqueue_dma source(%dma_start3A_38 : memref<106x96xi32, #tpu.memory_space<hbm>>) target(%arg9 : memref<106x96xi32, #tpu.memory_space<vmem>>) target_semaphore(%run_scoped3A : memref<!tpu.dma_semaphore, #tpu.memory_space<semaphore_mem>>)
      %dma_wait3A = arith.constant 0 : i32
      %dma_wait3A_39 = arith.constant 0 : i32
      %dma_wait3A_40 = tpu.memref_slice %arg4[%add3A, %dma_wait3A, %dma_wait3A_39] : memref<32x106x96xi32, #tpu.memory_space<hbm>> -> memref<1x106x96xi32, #tpu.memory_space<hbm>>
      %dma_wait3A_41 = tpu.memref_squeeze %dma_wait3A_40 : memref<1x106x96xi32, #tpu.memory_space<hbm>> -> memref<106x96xi32, #tpu.memory_space<hbm>>
      %dma_wait3A_42 = arith.constant 0 : i32
      %dma_wait3A_43 = arith.constant 0 : i32
      %dma_wait3A_44 = tpu.memref_slice %arg4[%add3A, %dma_wait3A_42, %dma_wait3A_43] : memref<32x106x96xi32, #tpu.memory_space<hbm>> -> memref<1x106x96xi32, #tpu.memory_space<hbm>>
      %dma_wait3A_45 = tpu.memref_squeeze %dma_wait3A_44 : memref<1x106x96xi32, #tpu.memory_space<hbm>> -> memref<106x96xi32, #tpu.memory_space<hbm>>
      tpu.wait_dma2 semaphore(%run_scoped3A : memref<!tpu.dma_semaphore, #tpu.memory_space<semaphore_mem>>) src(%dma_wait3A_45 : memref<106x96xi32, #tpu.memory_space<hbm>>) dst(%arg9 : memref<106x96xi32, #tpu.memory_space<vmem>>)
      tpu.yield
    }) : () -> ()
    %barrier3A = arith.constant 0 : index
    tpu.barrier barrier_id(%barrier3A)
    %dma_start3A = arith.constant 0 : i32
    %dma_start3A_3 = arith.constant 0 : i32
    %dma_start3A_4 = tpu.memref_slice %arg10[%dma_start3A, %dma_start3A_3] : memref<96x128xf32, #tpu.memory_space<vmem>> -> memref<48x128xf32, #tpu.memory_space<vmem>>
    %dma_start3A_5 = arith.constant 0 : i32
    %dma_start3A_6 = tpu.memref_slice %arg8[%dma_start3A_5] : memref<10176xi32, #tpu.memory_space<vmem>> -> memref<48xi32, #tpu.memory_space<vmem>>
    %dma_start3A_7 = arith.constant 0 : i32
    %dma_start3A_8 = arith.constant 0 : i32
    %dma_start3A_9 = tpu.memref_slice %arg2[%dma_start3A_7, %dma_start3A_8] : memref<10000x128xf32, #tpu.memory_space<hbm>> -> memref<10000x128xf32, #tpu.memory_space<hbm>>
    tpu.enqueue_indirect_dma source(%dma_start3A_9 : memref<10000x128xf32, #tpu.memory_space<hbm>>) target(%dma_start3A_4 : memref<48x128xf32, #tpu.memory_space<vmem>>) offsets(%dma_start3A_6 : memref<48xi32, #tpu.memory_space<vmem>>) semaphore(%arg12 : memref<!tpu.dma_semaphore, #tpu.memory_space<semaphore_mem>>)
    %dma_start3A_10 = arith.constant 48 : i32
    %dma_start3A_11 = arith.constant 0 : i32
    %dma_start3A_12 = tpu.memref_slice %arg10[%dma_start3A_10, %dma_start3A_11] : memref<96x128xf32, #tpu.memory_space<vmem>> -> memref<48x128xf32, #tpu.memory_space<vmem>>
    %dma_start3A_13 = arith.constant 48 : i32
    %dma_start3A_14 = tpu.memref_slice %arg8[%dma_start3A_13] : memref<10176xi32, #tpu.memory_space<vmem>> -> memref<48xi32, #tpu.memory_space<vmem>>
    %dma_start3A_15 = arith.constant 0 : i32
    %dma_start3A_16 = arith.constant 0 : i32
    %dma_start3A_17 = tpu.memref_slice %arg2[%dma_start3A_15, %dma_start3A_16] : memref<10000x128xf32, #tpu.memory_space<hbm>> -> memref<10000x128xf32, #tpu.memory_space<hbm>>
    tpu.enqueue_indirect_dma source(%dma_start3A_17 : memref<10000x128xf32, #tpu.memory_space<hbm>>) target(%dma_start3A_12 : memref<48x128xf32, #tpu.memory_space<vmem>>) offsets(%dma_start3A_14 : memref<48xi32, #tpu.memory_space<vmem>>) semaphore(%arg13 : memref<!tpu.dma_semaphore, #tpu.memory_space<semaphore_mem>>)
    %scan3A = arith.constant 0 : i32
    %scan3A_18 = arith.constant 0 : i32
    %scan3A_19 = arith.constant 53 : i32
    %scan3A_20 = arith.addi %scan3A_18, %scan3A_19 : i32
    %scan3A_21 = arith.constant 1 : i32
    scf.for %scan3A_31 = %scan3A_18 to %scan3A_20 step %scan3A_21  : i32 {
      %mul3A_32 = arith.constant 2 : i32
      %mul3A_33 = arith.muli %mul3A_32, %scan3A_31 : i32
      %add3A_34 = arith.constant 0 : i32
      %add3A_35 = arith.addi %mul3A_33, %add3A_34 : i32
      %add3A_36 = arith.constant 1 : i32
      %add3A_37 = arith.addi %add3A_35, %add3A_36 : i32
      %lt3A = arith.constant 106 : i32
      %lt3A_38 = arith.cmpi slt, %add3A_37, %lt3A : i32
      %convert_element_type3A_39 = arith.extui %lt3A_38 : i1 to i32
      %cond3A_40 = arith.constant 0 : i32
      %cond3A_41 = arith.cmpi ne, %convert_element_type3A_39, %cond3A_40 : i32
      scf.if %cond3A_41 {
        %mul3A_92 = arith.constant 96 : i32
        %mul3A_93 = arith.muli %add3A_37, %mul3A_92 : i32
        %dma_start3A_94 = arith.constant 0 : i32
        %dma_start3A_95 = arith.constant 0 : i32
        %dma_start3A_96 = tpu.memref_slice %arg11[%dma_start3A_94, %dma_start3A_95] : memref<96x128xf32, #tpu.memory_space<vmem>> -> memref<48x128xf32, #tpu.memory_space<vmem>>
        %dma_start3A_97 = tpu.memref_slice %arg8[%mul3A_93] : memref<10176xi32, #tpu.memory_space<vmem>> -> memref<48xi32, #tpu.memory_space<vmem>>
        %dma_start3A_98 = arith.constant 0 : i32
        %dma_start3A_99 = arith.constant 0 : i32
        %dma_start3A_100 = tpu.memref_slice %arg2[%dma_start3A_98, %dma_start3A_99] : memref<10000x128xf32, #tpu.memory_space<hbm>> -> memref<10000x128xf32, #tpu.memory_space<hbm>>
        tpu.enqueue_indirect_dma source(%dma_start3A_100 : memref<10000x128xf32, #tpu.memory_space<hbm>>) target(%dma_start3A_96 : memref<48x128xf32, #tpu.memory_space<vmem>>) offsets(%dma_start3A_97 : memref<48xi32, #tpu.memory_space<vmem>>) semaphore(%arg14 : memref<!tpu.dma_semaphore, #tpu.memory_space<semaphore_mem>>)
        %mul3A_101 = arith.constant 96 : i32
        %mul3A_102 = arith.muli %add3A_37, %mul3A_101 : i32
        %add3A_103 = arith.constant 48 : i32
        %add3A_104 = arith.addi %mul3A_102, %add3A_103 : i32
        %dma_start3A_105 = arith.constant 48 : i32
        %dma_start3A_106 = arith.constant 0 : i32
        %dma_start3A_107 = tpu.memref_slice %arg11[%dma_start3A_105, %dma_start3A_106] : memref<96x128xf32, #tpu.memory_space<vmem>> -> memref<48x128xf32, #tpu.memory_space<vmem>>
        %dma_start3A_108 = tpu.memref_slice %arg8[%add3A_104] : memref<10176xi32, #tpu.memory_space<vmem>> -> memref<48xi32, #tpu.memory_space<vmem>>
        %dma_start3A_109 = arith.constant 0 : i32
        %dma_start3A_110 = arith.constant 0 : i32
        %dma_start3A_111 = tpu.memref_slice %arg2[%dma_start3A_109, %dma_start3A_110] : memref<10000x128xf32, #tpu.memory_space<hbm>> -> memref<10000x128xf32, #tpu.memory_space<hbm>>
        tpu.enqueue_indirect_dma source(%dma_start3A_111 : memref<10000x128xf32, #tpu.memory_space<hbm>>) target(%dma_start3A_107 : memref<48x128xf32, #tpu.memory_space<vmem>>) offsets(%dma_start3A_108 : memref<48xi32, #tpu.memory_space<vmem>>) semaphore(%arg15 : memref<!tpu.dma_semaphore, #tpu.memory_space<semaphore_mem>>)
      } else {
      }
      %mul3A_42 = arith.constant 96 : i32
      %mul3A_43 = arith.muli %add3A_35, %mul3A_42 : i32
      %dma_wait3A = arith.constant 0 : i32
      %dma_wait3A_44 = arith.constant 0 : i32
      %dma_wait3A_45 = tpu.memref_slice %arg10[%dma_wait3A, %dma_wait3A_44] : memref<96x128xf32, #tpu.memory_space<vmem>> -> memref<48x128xf32, #tpu.memory_space<vmem>>
      %dma_wait3A_46 = tpu.memref_slice %arg8[%mul3A_43] : memref<10176xi32, #tpu.memory_space<vmem>> -> memref<48xi32, #tpu.memory_space<vmem>>
      %dma_wait3A_47 = arith.constant 0 : i32
      %dma_wait3A_48 = arith.constant 0 : i32
      %dma_wait3A_49 = tpu.memref_slice %arg2[%dma_wait3A_47, %dma_wait3A_48] : memref<10000x128xf32, #tpu.memory_space<hbm>> -> memref<10000x128xf32, #tpu.memory_space<hbm>>
      tpu.wait_indirect_dma semaphore(%arg12 : memref<!tpu.dma_semaphore, #tpu.memory_space<semaphore_mem>>) src(%dma_wait3A_49 : memref<10000x128xf32, #tpu.memory_space<hbm>>) dst(%dma_wait3A_45 : memref<48x128xf32, #tpu.memory_space<vmem>>)
      %mul3A_50 = arith.constant 96 : i32
      %mul3A_51 = arith.muli %add3A_35, %mul3A_50 : i32
      %add3A_52 = arith.constant 48 : i32
      %add3A_53 = arith.addi %mul3A_51, %add3A_52 : i32
      %dma_wait3A_54 = arith.constant 48 : i32
      %dma_wait3A_55 = arith.constant 0 : i32
      %dma_wait3A_56 = tpu.memref_slice %arg10[%dma_wait3A_54, %dma_wait3A_55] : memref<96x128xf32, #tpu.memory_space<vmem>> -> memref<48x128xf32, #tpu.memory_space<vmem>>
      %dma_wait3A_57 = tpu.memref_slice %arg8[%add3A_53] : memref<10176xi32, #tpu.memory_space<vmem>> -> memref<48xi32, #tpu.memory_space<vmem>>
      %dma_wait3A_58 = arith.constant 0 : i32
      %dma_wait3A_59 = arith.constant 0 : i32
      %dma_wait3A_60 = tpu.memref_slice %arg2[%dma_wait3A_58, %dma_wait3A_59] : memref<10000x128xf32, #tpu.memory_space<hbm>> -> memref<10000x128xf32, #tpu.memory_space<hbm>>
      tpu.wait_indirect_dma semaphore(%arg13 : memref<!tpu.dma_semaphore, #tpu.memory_space<semaphore_mem>>) src(%dma_wait3A_60 : memref<10000x128xf32, #tpu.memory_space<hbm>>) dst(%dma_wait3A_56 : memref<48x128xf32, #tpu.memory_space<vmem>>)
      "tpu.region"() ({
        %run_scoped3A = tpu.sem_alloc : memref<!tpu.dma_semaphore, #tpu.memory_space<semaphore_mem>>
        %dma_start3A_92 = arith.constant 0 : i32
        %dma_start3A_93 = tpu.memref_slice %arg9[%add3A_35, %dma_start3A_92] : memref<106x96xi32, #tpu.memory_space<vmem>> -> memref<1x96xi32, #tpu.memory_space<vmem>>
        %dma_start3A_94 = tpu.memref_squeeze %dma_start3A_93 : memref<1x96xi32, #tpu.memory_space<vmem>> -> memref<96xi32, #tpu.memory_space<vmem>>
        %dma_start3A_95 = arith.constant 0 : i32
        %dma_start3A_96 = arith.constant 0 : i32
        %dma_start3A_97 = tpu.memref_slice %arg16[%dma_start3A_95, %dma_start3A_96] : memref<10112x128xf32, #tpu.memory_space<vmem_shared>> -> memref<10112x128xf32, #tpu.memory_space<vmem_shared>>
        tpu.enqueue_indirect_dma source(%arg10 : memref<96x128xf32, #tpu.memory_space<vmem>>) target(%dma_start3A_97 : memref<10112x128xf32, #tpu.memory_space<vmem_shared>>) offsets(%dma_start3A_94 : memref<96xi32, #tpu.memory_space<vmem>>) semaphore(%run_scoped3A : memref<!tpu.dma_semaphore, #tpu.memory_space<semaphore_mem>>) {add = true}
        %dma_wait3A_98 = arith.constant 0 : i32
        %dma_wait3A_99 = tpu.memref_slice %arg9[%add3A_35, %dma_wait3A_98] : memref<106x96xi32, #tpu.memory_space<vmem>> -> memref<1x96xi32, #tpu.memory_space<vmem>>
        %dma_wait3A_100 = tpu.memref_squeeze %dma_wait3A_99 : memref<1x96xi32, #tpu.memory_space<vmem>> -> memref<96xi32, #tpu.memory_space<vmem>>
        %dma_wait3A_101 = arith.constant 0 : i32
        %dma_wait3A_102 = arith.constant 0 : i32
        %dma_wait3A_103 = tpu.memref_slice %arg16[%dma_wait3A_101, %dma_wait3A_102] : memref<10112x128xf32, #tpu.memory_space<vmem_shared>> -> memref<10112x128xf32, #tpu.memory_space<vmem_shared>>
        tpu.wait_indirect_dma semaphore(%run_scoped3A : memref<!tpu.dma_semaphore, #tpu.memory_space<semaphore_mem>>) src(%arg10 : memref<96x128xf32, #tpu.memory_space<vmem>>) dst(%dma_wait3A_103 : memref<10112x128xf32, #tpu.memory_space<vmem_shared>>)
        tpu.yield
      }) : () -> ()
      %mul3A_61 = arith.constant 2 : i32
      %mul3A_62 = arith.muli %mul3A_61, %scan3A_31 : i32
      %add3A_63 = arith.constant 1 : i32
      %add3A_64 = arith.addi %mul3A_62, %add3A_63 : i32
      %add3A_65 = arith.constant 1 : i32
      %add3A_66 = arith.addi %add3A_64, %add3A_65 : i32
      %lt3A_67 = arith.constant 106 : i32
      %lt3A_68 = arith.cmpi slt, %add3A_66, %lt3A_67 : i32
      %convert_element_type3A_69 = arith.extui %lt3A_68 : i1 to i32
      %cond3A_70 = arith.constant 0 : i32
      %cond3A_71 = arith.cmpi ne, %convert_element_type3A_69, %cond3A_70 : i32
      scf.if %cond3A_71 {
        %mul3A_92 = arith.constant 96 : i32
        %mul3A_93 = arith.muli %add3A_66, %mul3A_92 : i32
        %dma_start3A_94 = arith.constant 0 : i32
        %dma_start3A_95 = arith.constant 0 : i32
        %dma_start3A_96 = tpu.memref_slice %arg10[%dma_start3A_94, %dma_start3A_95] : memref<96x128xf32, #tpu.memory_space<vmem>> -> memref<48x128xf32, #tpu.memory_space<vmem>>
        %dma_start3A_97 = tpu.memref_slice %arg8[%mul3A_93] : memref<10176xi32, #tpu.memory_space<vmem>> -> memref<48xi32, #tpu.memory_space<vmem>>
        %dma_start3A_98 = arith.constant 0 : i32
        %dma_start3A_99 = arith.constant 0 : i32
        %dma_start3A_100 = tpu.memref_slice %arg2[%dma_start3A_98, %dma_start3A_99] : memref<10000x128xf32, #tpu.memory_space<hbm>> -> memref<10000x128xf32, #tpu.memory_space<hbm>>
        tpu.enqueue_indirect_dma source(%dma_start3A_100 : memref<10000x128xf32, #tpu.memory_space<hbm>>) target(%dma_start3A_96 : memref<48x128xf32, #tpu.memory_space<vmem>>) offsets(%dma_start3A_97 : memref<48xi32, #tpu.memory_space<vmem>>) semaphore(%arg12 : memref<!tpu.dma_semaphore, #tpu.memory_space<semaphore_mem>>)
        %mul3A_101 = arith.constant 96 : i32
        %mul3A_102 = arith.muli %add3A_66, %mul3A_101 : i32
        %add3A_103 = arith.constant 48 : i32
        %add3A_104 = arith.addi %mul3A_102, %add3A_103 : i32
        %dma_start3A_105 = arith.constant 48 : i32
        %dma_start3A_106 = arith.constant 0 : i32
        %dma_start3A_107 = tpu.memref_slice %arg10[%dma_start3A_105, %dma_start3A_106] : memref<96x128xf32, #tpu.memory_space<vmem>> -> memref<48x128xf32, #tpu.memory_space<vmem>>
        %dma_start3A_108 = tpu.memref_slice %arg8[%add3A_104] : memref<10176xi32, #tpu.memory_space<vmem>> -> memref<48xi32, #tpu.memory_space<vmem>>
        %dma_start3A_109 = arith.constant 0 : i32
        %dma_start3A_110 = arith.constant 0 : i32
        %dma_start3A_111 = tpu.memref_slice %arg2[%dma_start3A_109, %dma_start3A_110] : memref<10000x128xf32, #tpu.memory_space<hbm>> -> memref<10000x128xf32, #tpu.memory_space<hbm>>
        tpu.enqueue_indirect_dma source(%dma_start3A_111 : memref<10000x128xf32, #tpu.memory_space<hbm>>) target(%dma_start3A_107 : memref<48x128xf32, #tpu.memory_space<vmem>>) offsets(%dma_start3A_108 : memref<48xi32, #tpu.memory_space<vmem>>) semaphore(%arg13 : memref<!tpu.dma_semaphore, #tpu.memory_space<semaphore_mem>>)
      } else {
      }
      %mul3A_72 = arith.constant 96 : i32
      %mul3A_73 = arith.muli %add3A_64, %mul3A_72 : i32
      %dma_wait3A_74 = arith.constant 0 : i32
      %dma_wait3A_75 = arith.constant 0 : i32
      %dma_wait3A_76 = tpu.memref_slice %arg11[%dma_wait3A_74, %dma_wait3A_75] : memref<96x128xf32, #tpu.memory_space<vmem>> -> memref<48x128xf32, #tpu.memory_space<vmem>>
      %dma_wait3A_77 = tpu.memref_slice %arg8[%mul3A_73] : memref<10176xi32, #tpu.memory_space<vmem>> -> memref<48xi32, #tpu.memory_space<vmem>>
      %dma_wait3A_78 = arith.constant 0 : i32
      %dma_wait3A_79 = arith.constant 0 : i32
      %dma_wait3A_80 = tpu.memref_slice %arg2[%dma_wait3A_78, %dma_wait3A_79] : memref<10000x128xf32, #tpu.memory_space<hbm>> -> memref<10000x128xf32, #tpu.memory_space<hbm>>
      tpu.wait_indirect_dma semaphore(%arg14 : memref<!tpu.dma_semaphore, #tpu.memory_space<semaphore_mem>>) src(%dma_wait3A_80 : memref<10000x128xf32, #tpu.memory_space<hbm>>) dst(%dma_wait3A_76 : memref<48x128xf32, #tpu.memory_space<vmem>>)
      %mul3A_81 = arith.constant 96 : i32
      %mul3A_82 = arith.muli %add3A_64, %mul3A_81 : i32
      %add3A_83 = arith.constant 48 : i32
      %add3A_84 = arith.addi %mul3A_82, %add3A_83 : i32
      %dma_wait3A_85 = arith.constant 48 : i32
      %dma_wait3A_86 = arith.constant 0 : i32
      %dma_wait3A_87 = tpu.memref_slice %arg11[%dma_wait3A_85, %dma_wait3A_86] : memref<96x128xf32, #tpu.memory_space<vmem>> -> memref<48x128xf32, #tpu.memory_space<vmem>>
      %dma_wait3A_88 = tpu.memref_slice %arg8[%add3A_84] : memref<10176xi32, #tpu.memory_space<vmem>> -> memref<48xi32, #tpu.memory_space<vmem>>
      %dma_wait3A_89 = arith.constant 0 : i32
      %dma_wait3A_90 = arith.constant 0 : i32
      %dma_wait3A_91 = tpu.memref_slice %arg2[%dma_wait3A_89, %dma_wait3A_90] : memref<10000x128xf32, #tpu.memory_space<hbm>> -> memref<10000x128xf32, #tpu.memory_space<hbm>>
      tpu.wait_indirect_dma semaphore(%arg15 : memref<!tpu.dma_semaphore, #tpu.memory_space<semaphore_mem>>) src(%dma_wait3A_91 : memref<10000x128xf32, #tpu.memory_space<hbm>>) dst(%dma_wait3A_87 : memref<48x128xf32, #tpu.memory_space<vmem>>)
      "tpu.region"() ({
        %run_scoped3A = tpu.sem_alloc : memref<!tpu.dma_semaphore, #tpu.memory_space<semaphore_mem>>
        %dma_start3A_92 = arith.constant 0 : i32
        %dma_start3A_93 = tpu.memref_slice %arg9[%add3A_64, %dma_start3A_92] : memref<106x96xi32, #tpu.memory_space<vmem>> -> memref<1x96xi32, #tpu.memory_space<vmem>>
        %dma_start3A_94 = tpu.memref_squeeze %dma_start3A_93 : memref<1x96xi32, #tpu.memory_space<vmem>> -> memref<96xi32, #tpu.memory_space<vmem>>
        %dma_start3A_95 = arith.constant 0 : i32
        %dma_start3A_96 = arith.constant 0 : i32
        %dma_start3A_97 = tpu.memref_slice %arg16[%dma_start3A_95, %dma_start3A_96] : memref<10112x128xf32, #tpu.memory_space<vmem_shared>> -> memref<10112x128xf32, #tpu.memory_space<vmem_shared>>
        tpu.enqueue_indirect_dma source(%arg11 : memref<96x128xf32, #tpu.memory_space<vmem>>) target(%dma_start3A_97 : memref<10112x128xf32, #tpu.memory_space<vmem_shared>>) offsets(%dma_start3A_94 : memref<96xi32, #tpu.memory_space<vmem>>) semaphore(%run_scoped3A : memref<!tpu.dma_semaphore, #tpu.memory_space<semaphore_mem>>) {add = true}
        %dma_wait3A_98 = arith.constant 0 : i32
        %dma_wait3A_99 = tpu.memref_slice %arg9[%add3A_64, %dma_wait3A_98] : memref<106x96xi32, #tpu.memory_space<vmem>> -> memref<1x96xi32, #tpu.memory_space<vmem>>
        %dma_wait3A_100 = tpu.memref_squeeze %dma_wait3A_99 : memref<1x96xi32, #tpu.memory_space<vmem>> -> memref<96xi32, #tpu.memory_space<vmem>>
        %dma_wait3A_101 = arith.constant 0 : i32
        %dma_wait3A_102 = arith.constant 0 : i32
        %dma_wait3A_103 = tpu.memref_slice %arg16[%dma_wait3A_101, %dma_wait3A_102] : memref<10112x128xf32, #tpu.memory_space<vmem_shared>> -> memref<10112x128xf32, #tpu.memory_space<vmem_shared>>
        tpu.wait_indirect_dma semaphore(%run_scoped3A : memref<!tpu.dma_semaphore, #tpu.memory_space<semaphore_mem>>) src(%arg11 : memref<96x128xf32, #tpu.memory_space<vmem>>) dst(%dma_wait3A_103 : memref<10112x128xf32, #tpu.memory_space<vmem_shared>>)
        tpu.yield
      }) : () -> ()
    }
    %scan3A_22 = arith.constant 53 : i32
    %barrier3A_23 = arith.constant 0 : index
    tpu.barrier barrier_id(%barrier3A_23)
    %eq3A = arith.constant 0 : i32
    %eq3A_24 = arith.cmpi eq, %arg0, %eq3A : i32
    %convert_element_type3A = arith.extui %eq3A_24 : i1 to i32
    %cond3A = arith.constant 0 : i32
    %cond3A_25 = arith.cmpi ne, %convert_element_type3A, %cond3A : i32
    scf.if %cond3A_25 {
      "tpu.region"() ({
        %run_scoped3A = tpu.sem_alloc : memref<!tpu.dma_semaphore, #tpu.memory_space<semaphore_mem>>
        %dma_start3A_31 = arith.constant 0 : i32
        %dma_start3A_32 = tpu.memref_slice %arg6[%mul3A_2, %dma_start3A_31] : memref<10112x128xf32, #tpu.memory_space<hbm>> -> memref<632x128xf32, #tpu.memory_space<hbm>>
        %dma_start3A_33 = arith.constant 0 : i32
        %dma_start3A_34 = tpu.memref_slice %arg16[%mul3A_2, %dma_start3A_33] : memref<10112x128xf32, #tpu.memory_space<vmem_shared>> -> memref<632x128xf32, #tpu.memory_space<vmem_shared>>
        tpu.enqueue_dma source(%dma_start3A_34 : memref<632x128xf32, #tpu.memory_space<vmem_shared>>) target(%dma_start3A_32 : memref<632x128xf32, #tpu.memory_space<hbm>>) target_semaphore(%run_scoped3A : memref<!tpu.dma_semaphore, #tpu.memory_space<semaphore_mem>>)
        %dma_wait3A = arith.constant 0 : i32
        %dma_wait3A_35 = tpu.memref_slice %arg6[%mul3A_2, %dma_wait3A] : memref<10112x128xf32, #tpu.memory_space<hbm>> -> memref<632x128xf32, #tpu.memory_space<hbm>>
        %dma_wait3A_36 = arith.constant 0 : i32
        %dma_wait3A_37 = tpu.memref_slice %arg16[%mul3A_2, %dma_wait3A_36] : memref<10112x128xf32, #tpu.memory_space<vmem_shared>> -> memref<632x128xf32, #tpu.memory_space<vmem_shared>>
        tpu.wait_dma2 semaphore(%run_scoped3A : memref<!tpu.dma_semaphore, #tpu.memory_space<semaphore_mem>>) src(%dma_wait3A_37 : memref<632x128xf32, #tpu.memory_space<vmem_shared>>) dst(%dma_wait3A_35 : memref<632x128xf32, #tpu.memory_space<hbm>>)
        tpu.yield
      }) : () -> ()
    } else {
    }
    %eq3A_26 = arith.constant 1 : i32
    %eq3A_27 = arith.cmpi eq, %arg0, %eq3A_26 : i32
    %convert_element_type3A_28 = arith.extui %eq3A_27 : i1 to i32
    %cond3A_29 = arith.constant 0 : i32
    %cond3A_30 = arith.cmpi ne, %convert_element_type3A_28, %cond3A_29 : i32
    scf.if %cond3A_30 {
      "tpu.region"() ({
        %run_scoped3A = tpu.sem_alloc : memref<!tpu.dma_semaphore, #tpu.memory_space<semaphore_mem>>
        %dma_start3A_31 = arith.constant 0 : i32
        %dma_start3A_32 = tpu.memref_slice %arg7[%mul3A_2, %dma_start3A_31] : memref<10112x128xf32, #tpu.memory_space<hbm>> -> memref<632x128xf32, #tpu.memory_space<hbm>>
        %dma_start3A_33 = arith.constant 0 : i32
        %dma_start3A_34 = tpu.memref_slice %arg16[%mul3A_2, %dma_start3A_33] : memref<10112x128xf32, #tpu.memory_space<vmem_shared>> -> memref<632x128xf32, #tpu.memory_space<vmem_shared>>
        tpu.enqueue_dma source(%dma_start3A_34 : memref<632x128xf32, #tpu.memory_space<vmem_shared>>) target(%dma_start3A_32 : memref<632x128xf32, #tpu.memory_space<hbm>>) target_semaphore(%run_scoped3A : memref<!tpu.dma_semaphore, #tpu.memory_space<semaphore_mem>>)
        %dma_wait3A = arith.constant 0 : i32
        %dma_wait3A_35 = tpu.memref_slice %arg7[%mul3A_2, %dma_wait3A] : memref<10112x128xf32, #tpu.memory_space<hbm>> -> memref<632x128xf32, #tpu.memory_space<hbm>>
        %dma_wait3A_36 = arith.constant 0 : i32
        %dma_wait3A_37 = tpu.memref_slice %arg16[%mul3A_2, %dma_wait3A_36] : memref<10112x128xf32, #tpu.memory_space<vmem_shared>> -> memref<632x128xf32, #tpu.memory_space<vmem_shared>>
        tpu.wait_dma2 semaphore(%run_scoped3A : memref<!tpu.dma_semaphore, #tpu.memory_space<semaphore_mem>>) src(%dma_wait3A_37 : memref<632x128xf32, #tpu.memory_space<vmem_shared>>) dst(%dma_wait3A_35 : memref<632x128xf32, #tpu.memory_space<hbm>>)
        tpu.yield
      }) : () -> ()
    } else {
    }
    return
  }
}

#map = affine_map<(d0, d1) -> (0, 0)>
#map1 = affine_map<(d0, d1) -> (0, 0, 0)>
module attributes {stable_mosaic.version = 14 : i64} {
  func.func @_sc_scatter_body(%arg0: i32, %arg1: i32, %arg2: memref<10000x128xf32, #tpu.memory_space<hbm>>, %arg3: memref<32x10176xi32, #tpu.memory_space<hbm>>, %arg4: memref<32x106x96xi32, #tpu.memory_space<hbm>>, %arg5: memref<632x128xf32, #tpu.memory_space<hbm>>, %arg6: memref<10112x128xf32, #tpu.memory_space<hbm>>, %arg7: memref<10112x128xf32, #tpu.memory_space<hbm>>, %arg8: memref<10176xi32, #tpu.memory_space<vmem>>, %arg9: memref<106x96xi32, #tpu.memory_space<vmem>>, %arg10: memref<96x128xf32, #tpu.memory_space<vmem>>, %arg11: memref<96x128xf32, #tpu.memory_space<vmem>>, %arg12: memref<!tpu.dma_semaphore, #tpu.memory_space<semaphore_mem>>, %arg13: memref<!tpu.dma_semaphore, #tpu.memory_space<semaphore_mem>>, %arg14: memref<!tpu.dma_semaphore, #tpu.memory_space<semaphore_mem>>, %arg15: memref<!tpu.dma_semaphore, #tpu.memory_space<semaphore_mem>>, %arg16: memref<10112x128xf32, #tpu.memory_space<vmem_shared>>) attributes {dimension_semantics = [#tpu.dimension_semantics<core_parallel>, #tpu.dimension_semantics<subcore_parallel>], iteration_bounds = array<i64: 2, 16>, scalar_prefetch = 0 : i64, scratch_operands = 9 : i64, tpu.core_type = #tpu.core_type<sc_vector_subcore>, window_params = [{transform_indices = #map}, {transform_indices = #map}, {transform_indices = #map1}, {transform_indices = #map}, {transform_indices = #map}, {transform_indices = #map}]} {
    %mul3A = arith.constant 2 : i32
    %mul3A_0 = arith.muli %arg1, %mul3A : i32
    %add3A = arith.addi %mul3A_0, %arg0 : i32
    %mul3A_1 = arith.constant 632 : i32
    %mul3A_2 = arith.muli %arg1, %mul3A_1 : i32
    "tpu.region"() ({
      %run_scoped3A = tpu.sem_alloc : memref<!tpu.dma_semaphore, #tpu.memory_space<semaphore_mem>>
      %dma_start3A_31 = arith.constant 0 : i32
      %dma_start3A_32 = tpu.memref_slice %arg16[%mul3A_2, %dma_start3A_31] : memref<10112x128xf32, #tpu.memory_space<vmem_shared>> -> memref<632x128xf32, #tpu.memory_space<vmem_shared>>
      tpu.enqueue_dma source(%arg5 : memref<632x128xf32, #tpu.memory_space<hbm>>) target(%dma_start3A_32 : memref<632x128xf32, #tpu.memory_space<vmem_shared>>) target_semaphore(%run_scoped3A : memref<!tpu.dma_semaphore, #tpu.memory_space<semaphore_mem>>)
      %dma_wait3A = arith.constant 0 : i32
      %dma_wait3A_33 = tpu.memref_slice %arg16[%mul3A_2, %dma_wait3A] : memref<10112x128xf32, #tpu.memory_space<vmem_shared>> -> memref<632x128xf32, #tpu.memory_space<vmem_shared>>
      tpu.wait_dma2 semaphore(%run_scoped3A : memref<!tpu.dma_semaphore, #tpu.memory_space<semaphore_mem>>) src(%arg5 : memref<632x128xf32, #tpu.memory_space<hbm>>) dst(%dma_wait3A_33 : memref<632x128xf32, #tpu.memory_space<vmem_shared>>)
      tpu.yield
    }) : () -> ()
    "tpu.region"() ({
      %run_scoped3A = tpu.sem_alloc : memref<!tpu.dma_semaphore, #tpu.memory_space<semaphore_mem>>
      %dma_start3A_31 = arith.constant 0 : i32
      %dma_start3A_32 = tpu.memref_slice %arg3[%add3A, %dma_start3A_31] : memref<32x10176xi32, #tpu.memory_space<hbm>> -> memref<1x10176xi32, #tpu.memory_space<hbm>>
      %dma_start3A_33 = tpu.memref_squeeze %dma_start3A_32 : memref<1x10176xi32, #tpu.memory_space<hbm>> -> memref<10176xi32, #tpu.memory_space<hbm>>
      %dma_start3A_34 = arith.constant 0 : i32
      %dma_start3A_35 = tpu.memref_slice %arg3[%add3A, %dma_start3A_34] : memref<32x10176xi32, #tpu.memory_space<hbm>> -> memref<1x10176xi32, #tpu.memory_space<hbm>>
      %dma_start3A_36 = tpu.memref_squeeze %dma_start3A_35 : memref<1x10176xi32, #tpu.memory_space<hbm>> -> memref<10176xi32, #tpu.memory_space<hbm>>
      tpu.enqueue_dma source(%dma_start3A_36 : memref<10176xi32, #tpu.memory_space<hbm>>) target(%arg8 : memref<10176xi32, #tpu.memory_space<vmem>>) target_semaphore(%run_scoped3A : memref<!tpu.dma_semaphore, #tpu.memory_space<semaphore_mem>>)
      %dma_wait3A = arith.constant 0 : i32
      %dma_wait3A_37 = tpu.memref_slice %arg3[%add3A, %dma_wait3A] : memref<32x10176xi32, #tpu.memory_space<hbm>> -> memref<1x10176xi32, #tpu.memory_space<hbm>>
      %dma_wait3A_38 = tpu.memref_squeeze %dma_wait3A_37 : memref<1x10176xi32, #tpu.memory_space<hbm>> -> memref<10176xi32, #tpu.memory_space<hbm>>
      %dma_wait3A_39 = arith.constant 0 : i32
      %dma_wait3A_40 = tpu.memref_slice %arg3[%add3A, %dma_wait3A_39] : memref<32x10176xi32, #tpu.memory_space<hbm>> -> memref<1x10176xi32, #tpu.memory_space<hbm>>
      %dma_wait3A_41 = tpu.memref_squeeze %dma_wait3A_40 : memref<1x10176xi32, #tpu.memory_space<hbm>> -> memref<10176xi32, #tpu.memory_space<hbm>>
      tpu.wait_dma2 semaphore(%run_scoped3A : memref<!tpu.dma_semaphore, #tpu.memory_space<semaphore_mem>>) src(%dma_wait3A_41 : memref<10176xi32, #tpu.memory_space<hbm>>) dst(%arg8 : memref<10176xi32, #tpu.memory_space<vmem>>)
      tpu.yield
    }) : () -> ()
    "tpu.region"() ({
      %run_scoped3A = tpu.sem_alloc : memref<!tpu.dma_semaphore, #tpu.memory_space<semaphore_mem>>
      %dma_start3A_31 = arith.constant 0 : i32
      %dma_start3A_32 = arith.constant 0 : i32
      %dma_start3A_33 = tpu.memref_slice %arg4[%add3A, %dma_start3A_31, %dma_start3A_32] : memref<32x106x96xi32, #tpu.memory_space<hbm>> -> memref<1x106x96xi32, #tpu.memory_space<hbm>>
      %dma_start3A_34 = tpu.memref_squeeze %dma_start3A_33 : memref<1x106x96xi32, #tpu.memory_space<hbm>> -> memref<106x96xi32, #tpu.memory_space<hbm>>
      %dma_start3A_35 = arith.constant 0 : i32
      %dma_start3A_36 = arith.constant 0 : i32
      %dma_start3A_37 = tpu.memref_slice %arg4[%add3A, %dma_start3A_35, %dma_start3A_36] : memref<32x106x96xi32, #tpu.memory_space<hbm>> -> memref<1x106x96xi32, #tpu.memory_space<hbm>>
      %dma_start3A_38 = tpu.memref_squeeze %dma_start3A_37 : memref<1x106x96xi32, #tpu.memory_space<hbm>> -> memref<106x96xi32, #tpu.memory_space<hbm>>
      tpu.enqueue_dma source(%dma_start3A_38 : memref<106x96xi32, #tpu.memory_space<hbm>>) target(%arg9 : memref<106x96xi32, #tpu.memory_space<vmem>>) target_semaphore(%run_scoped3A : memref<!tpu.dma_semaphore, #tpu.memory_space<semaphore_mem>>)
      %dma_wait3A = arith.constant 0 : i32
      %dma_wait3A_39 = arith.constant 0 : i32
      %dma_wait3A_40 = tpu.memref_slice %arg4[%add3A, %dma_wait3A, %dma_wait3A_39] : memref<32x106x96xi32, #tpu.memory_space<hbm>> -> memref<1x106x96xi32, #tpu.memory_space<hbm>>
      %dma_wait3A_41 = tpu.memref_squeeze %dma_wait3A_40 : memref<1x106x96xi32, #tpu.memory_space<hbm>> -> memref<106x96xi32, #tpu.memory_space<hbm>>
      %dma_wait3A_42 = arith.constant 0 : i32
      %dma_wait3A_43 = arith.constant 0 : i32
      %dma_wait3A_44 = tpu.memref_slice %arg4[%add3A, %dma_wait3A_42, %dma_wait3A_43] : memref<32x106x96xi32, #tpu.memory_space<hbm>> -> memref<1x106x96xi32, #tpu.memory_space<hbm>>
      %dma_wait3A_45 = tpu.memref_squeeze %dma_wait3A_44 : memref<1x106x96xi32, #tpu.memory_space<hbm>> -> memref<106x96xi32, #tpu.memory_space<hbm>>
      tpu.wait_dma2 semaphore(%run_scoped3A : memref<!tpu.dma_semaphore, #tpu.memory_space<semaphore_mem>>) src(%dma_wait3A_45 : memref<106x96xi32, #tpu.memory_space<hbm>>) dst(%arg9 : memref<106x96xi32, #tpu.memory_space<vmem>>)
      tpu.yield
    }) : () -> ()
    %barrier3A = arith.constant 0 : index
    tpu.barrier barrier_id(%barrier3A)
    %dma_start3A = arith.constant 0 : i32
    %dma_start3A_3 = arith.constant 0 : i32
    %dma_start3A_4 = tpu.memref_slice %arg10[%dma_start3A, %dma_start3A_3] : memref<96x128xf32, #tpu.memory_space<vmem>> -> memref<48x128xf32, #tpu.memory_space<vmem>>
    %dma_start3A_5 = arith.constant 0 : i32
    %dma_start3A_6 = tpu.memref_slice %arg8[%dma_start3A_5] : memref<10176xi32, #tpu.memory_space<vmem>> -> memref<48xi32, #tpu.memory_space<vmem>>
    %dma_start3A_7 = arith.constant 0 : i32
    %dma_start3A_8 = arith.constant 0 : i32
    %dma_start3A_9 = tpu.memref_slice %arg2[%dma_start3A_7, %dma_start3A_8] : memref<10000x128xf32, #tpu.memory_space<hbm>> -> memref<10000x128xf32, #tpu.memory_space<hbm>>
    tpu.enqueue_indirect_dma source(%dma_start3A_9 : memref<10000x128xf32, #tpu.memory_space<hbm>>) target(%dma_start3A_4 : memref<48x128xf32, #tpu.memory_space<vmem>>) offsets(%dma_start3A_6 : memref<48xi32, #tpu.memory_space<vmem>>) semaphore(%arg12 : memref<!tpu.dma_semaphore, #tpu.memory_space<semaphore_mem>>)
    %dma_start3A_10 = arith.constant 48 : i32
    %dma_start3A_11 = arith.constant 0 : i32
    %dma_start3A_12 = tpu.memref_slice %arg10[%dma_start3A_10, %dma_start3A_11] : memref<96x128xf32, #tpu.memory_space<vmem>> -> memref<48x128xf32, #tpu.memory_space<vmem>>
    %dma_start3A_13 = arith.constant 48 : i32
    %dma_start3A_14 = tpu.memref_slice %arg8[%dma_start3A_13] : memref<10176xi32, #tpu.memory_space<vmem>> -> memref<48xi32, #tpu.memory_space<vmem>>
    %dma_start3A_15 = arith.constant 0 : i32
    %dma_start3A_16 = arith.constant 0 : i32
    %dma_start3A_17 = tpu.memref_slice %arg2[%dma_start3A_15, %dma_start3A_16] : memref<10000x128xf32, #tpu.memory_space<hbm>> -> memref<10000x128xf32, #tpu.memory_space<hbm>>
    tpu.enqueue_indirect_dma source(%dma_start3A_17 : memref<10000x128xf32, #tpu.memory_space<hbm>>) target(%dma_start3A_12 : memref<48x128xf32, #tpu.memory_space<vmem>>) offsets(%dma_start3A_14 : memref<48xi32, #tpu.memory_space<vmem>>) semaphore(%arg13 : memref<!tpu.dma_semaphore, #tpu.memory_space<semaphore_mem>>)
    %scan3A = arith.constant 0 : i32
    %scan3A_18 = arith.constant 0 : i32
    %scan3A_19 = arith.constant 53 : i32
    %scan3A_20 = arith.addi %scan3A_18, %scan3A_19 : i32
    %scan3A_21 = arith.constant 1 : i32
    scf.for %scan3A_31 = %scan3A_18 to %scan3A_20 step %scan3A_21  : i32 {
      %mul3A_32 = arith.constant 2 : i32
      %mul3A_33 = arith.muli %mul3A_32, %scan3A_31 : i32
      %add3A_34 = arith.constant 0 : i32
      %add3A_35 = arith.addi %mul3A_33, %add3A_34 : i32
      %add3A_36 = arith.constant 1 : i32
      %add3A_37 = arith.addi %add3A_35, %add3A_36 : i32
      %lt3A = arith.constant 106 : i32
      %lt3A_38 = arith.cmpi slt, %add3A_37, %lt3A : i32
      %convert_element_type3A_39 = arith.extui %lt3A_38 : i1 to i32
      %cond3A_40 = arith.constant 0 : i32
      %cond3A_41 = arith.cmpi ne, %convert_element_type3A_39, %cond3A_40 : i32
      scf.if %cond3A_41 {
        %mul3A_92 = arith.constant 96 : i32
        %mul3A_93 = arith.muli %add3A_37, %mul3A_92 : i32
        %dma_start3A_94 = arith.constant 0 : i32
        %dma_start3A_95 = arith.constant 0 : i32
        %dma_start3A_96 = tpu.memref_slice %arg11[%dma_start3A_94, %dma_start3A_95] : memref<96x128xf32, #tpu.memory_space<vmem>> -> memref<48x128xf32, #tpu.memory_space<vmem>>
        %dma_start3A_97 = tpu.memref_slice %arg8[%mul3A_93] : memref<10176xi32, #tpu.memory_space<vmem>> -> memref<48xi32, #tpu.memory_space<vmem>>
        %dma_start3A_98 = arith.constant 0 : i32
        %dma_start3A_99 = arith.constant 0 : i32
        %dma_start3A_100 = tpu.memref_slice %arg2[%dma_start3A_98, %dma_start3A_99] : memref<10000x128xf32, #tpu.memory_space<hbm>> -> memref<10000x128xf32, #tpu.memory_space<hbm>>
        tpu.enqueue_indirect_dma source(%dma_start3A_100 : memref<10000x128xf32, #tpu.memory_space<hbm>>) target(%dma_start3A_96 : memref<48x128xf32, #tpu.memory_space<vmem>>) offsets(%dma_start3A_97 : memref<48xi32, #tpu.memory_space<vmem>>) semaphore(%arg14 : memref<!tpu.dma_semaphore, #tpu.memory_space<semaphore_mem>>)
        %mul3A_101 = arith.constant 96 : i32
        %mul3A_102 = arith.muli %add3A_37, %mul3A_101 : i32
        %add3A_103 = arith.constant 48 : i32
        %add3A_104 = arith.addi %mul3A_102, %add3A_103 : i32
        %dma_start3A_105 = arith.constant 48 : i32
        %dma_start3A_106 = arith.constant 0 : i32
        %dma_start3A_107 = tpu.memref_slice %arg11[%dma_start3A_105, %dma_start3A_106] : memref<96x128xf32, #tpu.memory_space<vmem>> -> memref<48x128xf32, #tpu.memory_space<vmem>>
        %dma_start3A_108 = tpu.memref_slice %arg8[%add3A_104] : memref<10176xi32, #tpu.memory_space<vmem>> -> memref<48xi32, #tpu.memory_space<vmem>>
        %dma_start3A_109 = arith.constant 0 : i32
        %dma_start3A_110 = arith.constant 0 : i32
        %dma_start3A_111 = tpu.memref_slice %arg2[%dma_start3A_109, %dma_start3A_110] : memref<10000x128xf32, #tpu.memory_space<hbm>> -> memref<10000x128xf32, #tpu.memory_space<hbm>>
        tpu.enqueue_indirect_dma source(%dma_start3A_111 : memref<10000x128xf32, #tpu.memory_space<hbm>>) target(%dma_start3A_107 : memref<48x128xf32, #tpu.memory_space<vmem>>) offsets(%dma_start3A_108 : memref<48xi32, #tpu.memory_space<vmem>>) semaphore(%arg15 : memref<!tpu.dma_semaphore, #tpu.memory_space<semaphore_mem>>)
      } else {
      }
      %mul3A_42 = arith.constant 96 : i32
      %mul3A_43 = arith.muli %add3A_35, %mul3A_42 : i32
      %dma_wait3A = arith.constant 0 : i32
      %dma_wait3A_44 = arith.constant 0 : i32
      %dma_wait3A_45 = tpu.memref_slice %arg10[%dma_wait3A, %dma_wait3A_44] : memref<96x128xf32, #tpu.memory_space<vmem>> -> memref<48x128xf32, #tpu.memory_space<vmem>>
      %dma_wait3A_46 = tpu.memref_slice %arg8[%mul3A_43] : memref<10176xi32, #tpu.memory_space<vmem>> -> memref<48xi32, #tpu.memory_space<vmem>>
      %dma_wait3A_47 = arith.constant 0 : i32
      %dma_wait3A_48 = arith.constant 0 : i32
      %dma_wait3A_49 = tpu.memref_slice %arg2[%dma_wait3A_47, %dma_wait3A_48] : memref<10000x128xf32, #tpu.memory_space<hbm>> -> memref<10000x128xf32, #tpu.memory_space<hbm>>
      tpu.wait_indirect_dma semaphore(%arg12 : memref<!tpu.dma_semaphore, #tpu.memory_space<semaphore_mem>>) src(%dma_wait3A_49 : memref<10000x128xf32, #tpu.memory_space<hbm>>) dst(%dma_wait3A_45 : memref<48x128xf32, #tpu.memory_space<vmem>>)
      %mul3A_50 = arith.constant 96 : i32
      %mul3A_51 = arith.muli %add3A_35, %mul3A_50 : i32
      %add3A_52 = arith.constant 48 : i32
      %add3A_53 = arith.addi %mul3A_51, %add3A_52 : i32
      %dma_wait3A_54 = arith.constant 48 : i32
      %dma_wait3A_55 = arith.constant 0 : i32
      %dma_wait3A_56 = tpu.memref_slice %arg10[%dma_wait3A_54, %dma_wait3A_55] : memref<96x128xf32, #tpu.memory_space<vmem>> -> memref<48x128xf32, #tpu.memory_space<vmem>>
      %dma_wait3A_57 = tpu.memref_slice %arg8[%add3A_53] : memref<10176xi32, #tpu.memory_space<vmem>> -> memref<48xi32, #tpu.memory_space<vmem>>
      %dma_wait3A_58 = arith.constant 0 : i32
      %dma_wait3A_59 = arith.constant 0 : i32
      %dma_wait3A_60 = tpu.memref_slice %arg2[%dma_wait3A_58, %dma_wait3A_59] : memref<10000x128xf32, #tpu.memory_space<hbm>> -> memref<10000x128xf32, #tpu.memory_space<hbm>>
      tpu.wait_indirect_dma semaphore(%arg13 : memref<!tpu.dma_semaphore, #tpu.memory_space<semaphore_mem>>) src(%dma_wait3A_60 : memref<10000x128xf32, #tpu.memory_space<hbm>>) dst(%dma_wait3A_56 : memref<48x128xf32, #tpu.memory_space<vmem>>)
      "tpu.region"() ({
        %run_scoped3A = tpu.sem_alloc : memref<!tpu.dma_semaphore, #tpu.memory_space<semaphore_mem>>
        %dma_start3A_92 = arith.constant 0 : i32
        %dma_start3A_93 = tpu.memref_slice %arg9[%add3A_35, %dma_start3A_92] : memref<106x96xi32, #tpu.memory_space<vmem>> -> memref<1x96xi32, #tpu.memory_space<vmem>>
        %dma_start3A_94 = tpu.memref_squeeze %dma_start3A_93 : memref<1x96xi32, #tpu.memory_space<vmem>> -> memref<96xi32, #tpu.memory_space<vmem>>
        %dma_start3A_95 = arith.constant 0 : i32
        %dma_start3A_96 = arith.constant 0 : i32
        %dma_start3A_97 = tpu.memref_slice %arg16[%dma_start3A_95, %dma_start3A_96] : memref<10112x128xf32, #tpu.memory_space<vmem_shared>> -> memref<10112x128xf32, #tpu.memory_space<vmem_shared>>
        tpu.enqueue_indirect_dma source(%arg10 : memref<96x128xf32, #tpu.memory_space<vmem>>) target(%dma_start3A_97 : memref<10112x128xf32, #tpu.memory_space<vmem_shared>>) offsets(%dma_start3A_94 : memref<96xi32, #tpu.memory_space<vmem>>) semaphore(%run_scoped3A : memref<!tpu.dma_semaphore, #tpu.memory_space<semaphore_mem>>) {add = true}
        %dma_wait3A_98 = arith.constant 0 : i32
        %dma_wait3A_99 = tpu.memref_slice %arg9[%add3A_35, %dma_wait3A_98] : memref<106x96xi32, #tpu.memory_space<vmem>> -> memref<1x96xi32, #tpu.memory_space<vmem>>
        %dma_wait3A_100 = tpu.memref_squeeze %dma_wait3A_99 : memref<1x96xi32, #tpu.memory_space<vmem>> -> memref<96xi32, #tpu.memory_space<vmem>>
        %dma_wait3A_101 = arith.constant 0 : i32
        %dma_wait3A_102 = arith.constant 0 : i32
        %dma_wait3A_103 = tpu.memref_slice %arg16[%dma_wait3A_101, %dma_wait3A_102] : memref<10112x128xf32, #tpu.memory_space<vmem_shared>> -> memref<10112x128xf32, #tpu.memory_space<vmem_shared>>
        tpu.wait_indirect_dma semaphore(%run_scoped3A : memref<!tpu.dma_semaphore, #tpu.memory_space<semaphore_mem>>) src(%arg10 : memref<96x128xf32, #tpu.memory_space<vmem>>) dst(%dma_wait3A_103 : memref<10112x128xf32, #tpu.memory_space<vmem_shared>>)
        tpu.yield
      }) : () -> ()
      %mul3A_61 = arith.constant 2 : i32
      %mul3A_62 = arith.muli %mul3A_61, %scan3A_31 : i32
      %add3A_63 = arith.constant 1 : i32
      %add3A_64 = arith.addi %mul3A_62, %add3A_63 : i32
      %add3A_65 = arith.constant 1 : i32
      %add3A_66 = arith.addi %add3A_64, %add3A_65 : i32
      %lt3A_67 = arith.constant 106 : i32
      %lt3A_68 = arith.cmpi slt, %add3A_66, %lt3A_67 : i32
      %convert_element_type3A_69 = arith.extui %lt3A_68 : i1 to i32
      %cond3A_70 = arith.constant 0 : i32
      %cond3A_71 = arith.cmpi ne, %convert_element_type3A_69, %cond3A_70 : i32
      scf.if %cond3A_71 {
        %mul3A_92 = arith.constant 96 : i32
        %mul3A_93 = arith.muli %add3A_66, %mul3A_92 : i32
        %dma_start3A_94 = arith.constant 0 : i32
        %dma_start3A_95 = arith.constant 0 : i32
        %dma_start3A_96 = tpu.memref_slice %arg10[%dma_start3A_94, %dma_start3A_95] : memref<96x128xf32, #tpu.memory_space<vmem>> -> memref<48x128xf32, #tpu.memory_space<vmem>>
        %dma_start3A_97 = tpu.memref_slice %arg8[%mul3A_93] : memref<10176xi32, #tpu.memory_space<vmem>> -> memref<48xi32, #tpu.memory_space<vmem>>
        %dma_start3A_98 = arith.constant 0 : i32
        %dma_start3A_99 = arith.constant 0 : i32
        %dma_start3A_100 = tpu.memref_slice %arg2[%dma_start3A_98, %dma_start3A_99] : memref<10000x128xf32, #tpu.memory_space<hbm>> -> memref<10000x128xf32, #tpu.memory_space<hbm>>
        tpu.enqueue_indirect_dma source(%dma_start3A_100 : memref<10000x128xf32, #tpu.memory_space<hbm>>) target(%dma_start3A_96 : memref<48x128xf32, #tpu.memory_space<vmem>>) offsets(%dma_start3A_97 : memref<48xi32, #tpu.memory_space<vmem>>) semaphore(%arg12 : memref<!tpu.dma_semaphore, #tpu.memory_space<semaphore_mem>>)
        %mul3A_101 = arith.constant 96 : i32
        %mul3A_102 = arith.muli %add3A_66, %mul3A_101 : i32
        %add3A_103 = arith.constant 48 : i32
        %add3A_104 = arith.addi %mul3A_102, %add3A_103 : i32
        %dma_start3A_105 = arith.constant 48 : i32
        %dma_start3A_106 = arith.constant 0 : i32
        %dma_start3A_107 = tpu.memref_slice %arg10[%dma_start3A_105, %dma_start3A_106] : memref<96x128xf32, #tpu.memory_space<vmem>> -> memref<48x128xf32, #tpu.memory_space<vmem>>
        %dma_start3A_108 = tpu.memref_slice %arg8[%add3A_104] : memref<10176xi32, #tpu.memory_space<vmem>> -> memref<48xi32, #tpu.memory_space<vmem>>
        %dma_start3A_109 = arith.constant 0 : i32
        %dma_start3A_110 = arith.constant 0 : i32
        %dma_start3A_111 = tpu.memref_slice %arg2[%dma_start3A_109, %dma_start3A_110] : memref<10000x128xf32, #tpu.memory_space<hbm>> -> memref<10000x128xf32, #tpu.memory_space<hbm>>
        tpu.enqueue_indirect_dma source(%dma_start3A_111 : memref<10000x128xf32, #tpu.memory_space<hbm>>) target(%dma_start3A_107 : memref<48x128xf32, #tpu.memory_space<vmem>>) offsets(%dma_start3A_108 : memref<48xi32, #tpu.memory_space<vmem>>) semaphore(%arg13 : memref<!tpu.dma_semaphore, #tpu.memory_space<semaphore_mem>>)
      } else {
      }
      %mul3A_72 = arith.constant 96 : i32
      %mul3A_73 = arith.muli %add3A_64, %mul3A_72 : i32
      %dma_wait3A_74 = arith.constant 0 : i32
      %dma_wait3A_75 = arith.constant 0 : i32
      %dma_wait3A_76 = tpu.memref_slice %arg11[%dma_wait3A_74, %dma_wait3A_75] : memref<96x128xf32, #tpu.memory_space<vmem>> -> memref<48x128xf32, #tpu.memory_space<vmem>>
      %dma_wait3A_77 = tpu.memref_slice %arg8[%mul3A_73] : memref<10176xi32, #tpu.memory_space<vmem>> -> memref<48xi32, #tpu.memory_space<vmem>>
      %dma_wait3A_78 = arith.constant 0 : i32
      %dma_wait3A_79 = arith.constant 0 : i32
      %dma_wait3A_80 = tpu.memref_slice %arg2[%dma_wait3A_78, %dma_wait3A_79] : memref<10000x128xf32, #tpu.memory_space<hbm>> -> memref<10000x128xf32, #tpu.memory_space<hbm>>
      tpu.wait_indirect_dma semaphore(%arg14 : memref<!tpu.dma_semaphore, #tpu.memory_space<semaphore_mem>>) src(%dma_wait3A_80 : memref<10000x128xf32, #tpu.memory_space<hbm>>) dst(%dma_wait3A_76 : memref<48x128xf32, #tpu.memory_space<vmem>>)
      %mul3A_81 = arith.constant 96 : i32
      %mul3A_82 = arith.muli %add3A_64, %mul3A_81 : i32
      %add3A_83 = arith.constant 48 : i32
      %add3A_84 = arith.addi %mul3A_82, %add3A_83 : i32
      %dma_wait3A_85 = arith.constant 48 : i32
      %dma_wait3A_86 = arith.constant 0 : i32
      %dma_wait3A_87 = tpu.memref_slice %arg11[%dma_wait3A_85, %dma_wait3A_86] : memref<96x128xf32, #tpu.memory_space<vmem>> -> memref<48x128xf32, #tpu.memory_space<vmem>>
      %dma_wait3A_88 = tpu.memref_slice %arg8[%add3A_84] : memref<10176xi32, #tpu.memory_space<vmem>> -> memref<48xi32, #tpu.memory_space<vmem>>
      %dma_wait3A_89 = arith.constant 0 : i32
      %dma_wait3A_90 = arith.constant 0 : i32
      %dma_wait3A_91 = tpu.memref_slice %arg2[%dma_wait3A_89, %dma_wait3A_90] : memref<10000x128xf32, #tpu.memory_space<hbm>> -> memref<10000x128xf32, #tpu.memory_space<hbm>>
      tpu.wait_indirect_dma semaphore(%arg15 : memref<!tpu.dma_semaphore, #tpu.memory_space<semaphore_mem>>) src(%dma_wait3A_91 : memref<10000x128xf32, #tpu.memory_space<hbm>>) dst(%dma_wait3A_87 : memref<48x128xf32, #tpu.memory_space<vmem>>)
      "tpu.region"() ({
        %run_scoped3A = tpu.sem_alloc : memref<!tpu.dma_semaphore, #tpu.memory_space<semaphore_mem>>
        %dma_start3A_92 = arith.constant 0 : i32
        %dma_start3A_93 = tpu.memref_slice %arg9[%add3A_64, %dma_start3A_92] : memref<106x96xi32, #tpu.memory_space<vmem>> -> memref<1x96xi32, #tpu.memory_space<vmem>>
        %dma_start3A_94 = tpu.memref_squeeze %dma_start3A_93 : memref<1x96xi32, #tpu.memory_space<vmem>> -> memref<96xi32, #tpu.memory_space<vmem>>
        %dma_start3A_95 = arith.constant 0 : i32
        %dma_start3A_96 = arith.constant 0 : i32
        %dma_start3A_97 = tpu.memref_slice %arg16[%dma_start3A_95, %dma_start3A_96] : memref<10112x128xf32, #tpu.memory_space<vmem_shared>> -> memref<10112x128xf32, #tpu.memory_space<vmem_shared>>
        tpu.enqueue_indirect_dma source(%arg11 : memref<96x128xf32, #tpu.memory_space<vmem>>) target(%dma_start3A_97 : memref<10112x128xf32, #tpu.memory_space<vmem_shared>>) offsets(%dma_start3A_94 : memref<96xi32, #tpu.memory_space<vmem>>) semaphore(%run_scoped3A : memref<!tpu.dma_semaphore, #tpu.memory_space<semaphore_mem>>) {add = true}
        %dma_wait3A_98 = arith.constant 0 : i32
        %dma_wait3A_99 = tpu.memref_slice %arg9[%add3A_64, %dma_wait3A_98] : memref<106x96xi32, #tpu.memory_space<vmem>> -> memref<1x96xi32, #tpu.memory_space<vmem>>
        %dma_wait3A_100 = tpu.memref_squeeze %dma_wait3A_99 : memref<1x96xi32, #tpu.memory_space<vmem>> -> memref<96xi32, #tpu.memory_space<vmem>>
        %dma_wait3A_101 = arith.constant 0 : i32
        %dma_wait3A_102 = arith.constant 0 : i32
        %dma_wait3A_103 = tpu.memref_slice %arg16[%dma_wait3A_101, %dma_wait3A_102] : memref<10112x128xf32, #tpu.memory_space<vmem_shared>> -> memref<10112x128xf32, #tpu.memory_space<vmem_shared>>
        tpu.wait_indirect_dma semaphore(%run_scoped3A : memref<!tpu.dma_semaphore, #tpu.memory_space<semaphore_mem>>) src(%arg11 : memref<96x128xf32, #tpu.memory_space<vmem>>) dst(%dma_wait3A_103 : memref<10112x128xf32, #tpu.memory_space<vmem_shared>>)
        tpu.yield
      }) : () -> ()
    }
    %scan3A_22 = arith.constant 53 : i32
    %barrier3A_23 = arith.constant 0 : index
    tpu.barrier barrier_id(%barrier3A_23)
    %eq3A = arith.constant 0 : i32
    %eq3A_24 = arith.cmpi eq, %arg0, %eq3A : i32
    %convert_element_type3A = arith.extui %eq3A_24 : i1 to i32
    %cond3A = arith.constant 0 : i32
    %cond3A_25 = arith.cmpi ne, %convert_element_type3A, %cond3A : i32
    scf.if %cond3A_25 {
      "tpu.region"() ({
        %run_scoped3A = tpu.sem_alloc : memref<!tpu.dma_semaphore, #tpu.memory_space<semaphore_mem>>
        %dma_start3A_31 = arith.constant 0 : i32
        %dma_start3A_32 = tpu.memref_slice %arg6[%mul3A_2, %dma_start3A_31] : memref<10112x128xf32, #tpu.memory_space<hbm>> -> memref<632x128xf32, #tpu.memory_space<hbm>>
        %dma_start3A_33 = arith.constant 0 : i32
        %dma_start3A_34 = tpu.memref_slice %arg16[%mul3A_2, %dma_start3A_33] : memref<10112x128xf32, #tpu.memory_space<vmem_shared>> -> memref<632x128xf32, #tpu.memory_space<vmem_shared>>
        tpu.enqueue_dma source(%dma_start3A_34 : memref<632x128xf32, #tpu.memory_space<vmem_shared>>) target(%dma_start3A_32 : memref<632x128xf32, #tpu.memory_space<hbm>>) target_semaphore(%run_scoped3A : memref<!tpu.dma_semaphore, #tpu.memory_space<semaphore_mem>>)
        %dma_wait3A = arith.constant 0 : i32
        %dma_wait3A_35 = tpu.memref_slice %arg6[%mul3A_2, %dma_wait3A] : memref<10112x128xf32, #tpu.memory_space<hbm>> -> memref<632x128xf32, #tpu.memory_space<hbm>>
        %dma_wait3A_36 = arith.constant 0 : i32
        %dma_wait3A_37 = tpu.memref_slice %arg16[%mul3A_2, %dma_wait3A_36] : memref<10112x128xf32, #tpu.memory_space<vmem_shared>> -> memref<632x128xf32, #tpu.memory_space<vmem_shared>>
        tpu.wait_dma2 semaphore(%run_scoped3A : memref<!tpu.dma_semaphore, #tpu.memory_space<semaphore_mem>>) src(%dma_wait3A_37 : memref<632x128xf32, #tpu.memory_space<vmem_shared>>) dst(%dma_wait3A_35 : memref<632x128xf32, #tpu.memory_space<hbm>>)
        tpu.yield
      }) : () -> ()
    } else {
    }
    %eq3A_26 = arith.constant 1 : i32
    %eq3A_27 = arith.cmpi eq, %arg0, %eq3A_26 : i32
    %convert_element_type3A_28 = arith.extui %eq3A_27 : i1 to i32
    %cond3A_29 = arith.constant 0 : i32
    %cond3A_30 = arith.cmpi ne, %convert_element_type3A_28, %cond3A_29 : i32
    scf.if %cond3A_30 {
      "tpu.region"() ({
        %run_scoped3A = tpu.sem_alloc : memref<!tpu.dma_semaphore, #tpu.memory_space<semaphore_mem>>
        %dma_start3A_31 = arith.constant 0 : i32
        %dma_start3A_32 = tpu.memref_slice %arg7[%mul3A_2, %dma_start3A_31] : memref<10112x128xf32, #tpu.memory_space<hbm>> -> memref<632x128xf32, #tpu.memory_space<hbm>>
        %dma_start3A_33 = arith.constant 0 : i32
        %dma_start3A_34 = tpu.memref_slice %arg16[%mul3A_2, %dma_start3A_33] : memref<10112x128xf32, #tpu.memory_space<vmem_shared>> -> memref<632x128xf32, #tpu.memory_space<vmem_shared>>
        tpu.enqueue_dma source(%dma_start3A_34 : memref<632x128xf32, #tpu.memory_space<vmem_shared>>) target(%dma_start3A_32 : memref<632x128xf32, #tpu.memory_space<hbm>>) target_semaphore(%run_scoped3A : memref<!tpu.dma_semaphore, #tpu.memory_space<semaphore_mem>>)
        %dma_wait3A = arith.constant 0 : i32
        %dma_wait3A_35 = tpu.memref_slice %arg7[%mul3A_2, %dma_wait3A] : memref<10112x128xf32, #tpu.memory_space<hbm>> -> memref<632x128xf32, #tpu.memory_space<hbm>>
        %dma_wait3A_36 = arith.constant 0 : i32
        %dma_wait3A_37 = tpu.memref_slice %arg16[%mul3A_2, %dma_wait3A_36] : memref<10112x128xf32, #tpu.memory_space<vmem_shared>> -> memref<632x128xf32, #tpu.memory_space<vmem_shared>>
        tpu.wait_dma2 semaphore(%run_scoped3A : memref<!tpu.dma_semaphore, #tpu.memory_space<semaphore_mem>>) src(%dma_wait3A_37 : memref<632x128xf32, #tpu.memory_space<vmem_shared>>) dst(%dma_wait3A_35 : memref<632x128xf32, #tpu.memory_space<hbm>>)
        tpu.yield
      }) : () -> ()
    } else {
    }
    return
  }
}

#map = affine_map<(d0, d1) -> (0, 0)>
#map1 = affine_map<(d0, d1) -> (0, 0, 0)>
module attributes {stable_mosaic.version = 14 : i64} {
  func.func @_sc_scatter_body(%arg0: i32, %arg1: i32, %arg2: memref<10000x128xf32, #tpu.memory_space<hbm>>, %arg3: memref<32x10176xi32, #tpu.memory_space<hbm>>, %arg4: memref<32x106x96xi32, #tpu.memory_space<hbm>>, %arg5: memref<632x128xf32, #tpu.memory_space<hbm>>, %arg6: memref<10112x128xf32, #tpu.memory_space<hbm>>, %arg7: memref<10112x128xf32, #tpu.memory_space<hbm>>, %arg8: memref<10176xi32, #tpu.memory_space<vmem>>, %arg9: memref<106x96xi32, #tpu.memory_space<vmem>>, %arg10: memref<96x128xf32, #tpu.memory_space<vmem>>, %arg11: memref<96x128xf32, #tpu.memory_space<vmem>>, %arg12: memref<!tpu.dma_semaphore, #tpu.memory_space<semaphore_mem>>, %arg13: memref<!tpu.dma_semaphore, #tpu.memory_space<semaphore_mem>>, %arg14: memref<!tpu.dma_semaphore, #tpu.memory_space<semaphore_mem>>, %arg15: memref<!tpu.dma_semaphore, #tpu.memory_space<semaphore_mem>>, %arg16: memref<10112x128xf32, #tpu.memory_space<vmem_shared>>) attributes {dimension_semantics = [#tpu.dimension_semantics<core_parallel>, #tpu.dimension_semantics<subcore_parallel>], iteration_bounds = array<i64: 2, 16>, scalar_prefetch = 0 : i64, scratch_operands = 9 : i64, tpu.core_type = #tpu.core_type<sc_vector_subcore>, window_params = [{transform_indices = #map}, {transform_indices = #map}, {transform_indices = #map1}, {transform_indices = #map}, {transform_indices = #map}, {transform_indices = #map}]} {
    %mul3A = arith.constant 2 : i32
    %mul3A_0 = arith.muli %arg1, %mul3A : i32
    %add3A = arith.addi %mul3A_0, %arg0 : i32
    %mul3A_1 = arith.constant 632 : i32
    %mul3A_2 = arith.muli %arg1, %mul3A_1 : i32
    "tpu.region"() ({
      %run_scoped3A = tpu.sem_alloc : memref<!tpu.dma_semaphore, #tpu.memory_space<semaphore_mem>>
      %dma_start3A_31 = arith.constant 0 : i32
      %dma_start3A_32 = tpu.memref_slice %arg16[%mul3A_2, %dma_start3A_31] : memref<10112x128xf32, #tpu.memory_space<vmem_shared>> -> memref<632x128xf32, #tpu.memory_space<vmem_shared>>
      tpu.enqueue_dma source(%arg5 : memref<632x128xf32, #tpu.memory_space<hbm>>) target(%dma_start3A_32 : memref<632x128xf32, #tpu.memory_space<vmem_shared>>) target_semaphore(%run_scoped3A : memref<!tpu.dma_semaphore, #tpu.memory_space<semaphore_mem>>)
      %dma_wait3A = arith.constant 0 : i32
      %dma_wait3A_33 = tpu.memref_slice %arg16[%mul3A_2, %dma_wait3A] : memref<10112x128xf32, #tpu.memory_space<vmem_shared>> -> memref<632x128xf32, #tpu.memory_space<vmem_shared>>
      tpu.wait_dma2 semaphore(%run_scoped3A : memref<!tpu.dma_semaphore, #tpu.memory_space<semaphore_mem>>) src(%arg5 : memref<632x128xf32, #tpu.memory_space<hbm>>) dst(%dma_wait3A_33 : memref<632x128xf32, #tpu.memory_space<vmem_shared>>)
      tpu.yield
    }) : () -> ()
    "tpu.region"() ({
      %run_scoped3A = tpu.sem_alloc : memref<!tpu.dma_semaphore, #tpu.memory_space<semaphore_mem>>
      %dma_start3A_31 = arith.constant 0 : i32
      %dma_start3A_32 = tpu.memref_slice %arg3[%add3A, %dma_start3A_31] : memref<32x10176xi32, #tpu.memory_space<hbm>> -> memref<1x10176xi32, #tpu.memory_space<hbm>>
      %dma_start3A_33 = tpu.memref_squeeze %dma_start3A_32 : memref<1x10176xi32, #tpu.memory_space<hbm>> -> memref<10176xi32, #tpu.memory_space<hbm>>
      %dma_start3A_34 = arith.constant 0 : i32
      %dma_start3A_35 = tpu.memref_slice %arg3[%add3A, %dma_start3A_34] : memref<32x10176xi32, #tpu.memory_space<hbm>> -> memref<1x10176xi32, #tpu.memory_space<hbm>>
      %dma_start3A_36 = tpu.memref_squeeze %dma_start3A_35 : memref<1x10176xi32, #tpu.memory_space<hbm>> -> memref<10176xi32, #tpu.memory_space<hbm>>
      tpu.enqueue_dma source(%dma_start3A_36 : memref<10176xi32, #tpu.memory_space<hbm>>) target(%arg8 : memref<10176xi32, #tpu.memory_space<vmem>>) target_semaphore(%run_scoped3A : memref<!tpu.dma_semaphore, #tpu.memory_space<semaphore_mem>>)
      %dma_wait3A = arith.constant 0 : i32
      %dma_wait3A_37 = tpu.memref_slice %arg3[%add3A, %dma_wait3A] : memref<32x10176xi32, #tpu.memory_space<hbm>> -> memref<1x10176xi32, #tpu.memory_space<hbm>>
      %dma_wait3A_38 = tpu.memref_squeeze %dma_wait3A_37 : memref<1x10176xi32, #tpu.memory_space<hbm>> -> memref<10176xi32, #tpu.memory_space<hbm>>
      %dma_wait3A_39 = arith.constant 0 : i32
      %dma_wait3A_40 = tpu.memref_slice %arg3[%add3A, %dma_wait3A_39] : memref<32x10176xi32, #tpu.memory_space<hbm>> -> memref<1x10176xi32, #tpu.memory_space<hbm>>
      %dma_wait3A_41 = tpu.memref_squeeze %dma_wait3A_40 : memref<1x10176xi32, #tpu.memory_space<hbm>> -> memref<10176xi32, #tpu.memory_space<hbm>>
      tpu.wait_dma2 semaphore(%run_scoped3A : memref<!tpu.dma_semaphore, #tpu.memory_space<semaphore_mem>>) src(%dma_wait3A_41 : memref<10176xi32, #tpu.memory_space<hbm>>) dst(%arg8 : memref<10176xi32, #tpu.memory_space<vmem>>)
      tpu.yield
    }) : () -> ()
    "tpu.region"() ({
      %run_scoped3A = tpu.sem_alloc : memref<!tpu.dma_semaphore, #tpu.memory_space<semaphore_mem>>
      %dma_start3A_31 = arith.constant 0 : i32
      %dma_start3A_32 = arith.constant 0 : i32
      %dma_start3A_33 = tpu.memref_slice %arg4[%add3A, %dma_start3A_31, %dma_start3A_32] : memref<32x106x96xi32, #tpu.memory_space<hbm>> -> memref<1x106x96xi32, #tpu.memory_space<hbm>>
      %dma_start3A_34 = tpu.memref_squeeze %dma_start3A_33 : memref<1x106x96xi32, #tpu.memory_space<hbm>> -> memref<106x96xi32, #tpu.memory_space<hbm>>
      %dma_start3A_35 = arith.constant 0 : i32
      %dma_start3A_36 = arith.constant 0 : i32
      %dma_start3A_37 = tpu.memref_slice %arg4[%add3A, %dma_start3A_35, %dma_start3A_36] : memref<32x106x96xi32, #tpu.memory_space<hbm>> -> memref<1x106x96xi32, #tpu.memory_space<hbm>>
      %dma_start3A_38 = tpu.memref_squeeze %dma_start3A_37 : memref<1x106x96xi32, #tpu.memory_space<hbm>> -> memref<106x96xi32, #tpu.memory_space<hbm>>
      tpu.enqueue_dma source(%dma_start3A_38 : memref<106x96xi32, #tpu.memory_space<hbm>>) target(%arg9 : memref<106x96xi32, #tpu.memory_space<vmem>>) target_semaphore(%run_scoped3A : memref<!tpu.dma_semaphore, #tpu.memory_space<semaphore_mem>>)
      %dma_wait3A = arith.constant 0 : i32
      %dma_wait3A_39 = arith.constant 0 : i32
      %dma_wait3A_40 = tpu.memref_slice %arg4[%add3A, %dma_wait3A, %dma_wait3A_39] : memref<32x106x96xi32, #tpu.memory_space<hbm>> -> memref<1x106x96xi32, #tpu.memory_space<hbm>>
      %dma_wait3A_41 = tpu.memref_squeeze %dma_wait3A_40 : memref<1x106x96xi32, #tpu.memory_space<hbm>> -> memref<106x96xi32, #tpu.memory_space<hbm>>
      %dma_wait3A_42 = arith.constant 0 : i32
      %dma_wait3A_43 = arith.constant 0 : i32
      %dma_wait3A_44 = tpu.memref_slice %arg4[%add3A, %dma_wait3A_42, %dma_wait3A_43] : memref<32x106x96xi32, #tpu.memory_space<hbm>> -> memref<1x106x96xi32, #tpu.memory_space<hbm>>
      %dma_wait3A_45 = tpu.memref_squeeze %dma_wait3A_44 : memref<1x106x96xi32, #tpu.memory_space<hbm>> -> memref<106x96xi32, #tpu.memory_space<hbm>>
      tpu.wait_dma2 semaphore(%run_scoped3A : memref<!tpu.dma_semaphore, #tpu.memory_space<semaphore_mem>>) src(%dma_wait3A_45 : memref<106x96xi32, #tpu.memory_space<hbm>>) dst(%arg9 : memref<106x96xi32, #tpu.memory_space<vmem>>)
      tpu.yield
    }) : () -> ()
    %barrier3A = arith.constant 0 : index
    tpu.barrier barrier_id(%barrier3A)
    %dma_start3A = arith.constant 0 : i32
    %dma_start3A_3 = arith.constant 0 : i32
    %dma_start3A_4 = tpu.memref_slice %arg10[%dma_start3A, %dma_start3A_3] : memref<96x128xf32, #tpu.memory_space<vmem>> -> memref<48x128xf32, #tpu.memory_space<vmem>>
    %dma_start3A_5 = arith.constant 0 : i32
    %dma_start3A_6 = tpu.memref_slice %arg8[%dma_start3A_5] : memref<10176xi32, #tpu.memory_space<vmem>> -> memref<48xi32, #tpu.memory_space<vmem>>
    %dma_start3A_7 = arith.constant 0 : i32
    %dma_start3A_8 = arith.constant 0 : i32
    %dma_start3A_9 = tpu.memref_slice %arg2[%dma_start3A_7, %dma_start3A_8] : memref<10000x128xf32, #tpu.memory_space<hbm>> -> memref<10000x128xf32, #tpu.memory_space<hbm>>
    tpu.enqueue_indirect_dma source(%dma_start3A_9 : memref<10000x128xf32, #tpu.memory_space<hbm>>) target(%dma_start3A_4 : memref<48x128xf32, #tpu.memory_space<vmem>>) offsets(%dma_start3A_6 : memref<48xi32, #tpu.memory_space<vmem>>) semaphore(%arg12 : memref<!tpu.dma_semaphore, #tpu.memory_space<semaphore_mem>>)
    %dma_start3A_10 = arith.constant 48 : i32
    %dma_start3A_11 = arith.constant 0 : i32
    %dma_start3A_12 = tpu.memref_slice %arg10[%dma_start3A_10, %dma_start3A_11] : memref<96x128xf32, #tpu.memory_space<vmem>> -> memref<48x128xf32, #tpu.memory_space<vmem>>
    %dma_start3A_13 = arith.constant 48 : i32
    %dma_start3A_14 = tpu.memref_slice %arg8[%dma_start3A_13] : memref<10176xi32, #tpu.memory_space<vmem>> -> memref<48xi32, #tpu.memory_space<vmem>>
    %dma_start3A_15 = arith.constant 0 : i32
    %dma_start3A_16 = arith.constant 0 : i32
    %dma_start3A_17 = tpu.memref_slice %arg2[%dma_start3A_15, %dma_start3A_16] : memref<10000x128xf32, #tpu.memory_space<hbm>> -> memref<10000x128xf32, #tpu.memory_space<hbm>>
    tpu.enqueue_indirect_dma source(%dma_start3A_17 : memref<10000x128xf32, #tpu.memory_space<hbm>>) target(%dma_start3A_12 : memref<48x128xf32, #tpu.memory_space<vmem>>) offsets(%dma_start3A_14 : memref<48xi32, #tpu.memory_space<vmem>>) semaphore(%arg13 : memref<!tpu.dma_semaphore, #tpu.memory_space<semaphore_mem>>)
    %scan3A = arith.constant 0 : i32
    %scan3A_18 = arith.constant 0 : i32
    %scan3A_19 = arith.constant 53 : i32
    %scan3A_20 = arith.addi %scan3A_18, %scan3A_19 : i32
    %scan3A_21 = arith.constant 1 : i32
    scf.for %scan3A_31 = %scan3A_18 to %scan3A_20 step %scan3A_21  : i32 {
      %mul3A_32 = arith.constant 2 : i32
      %mul3A_33 = arith.muli %mul3A_32, %scan3A_31 : i32
      %add3A_34 = arith.constant 0 : i32
      %add3A_35 = arith.addi %mul3A_33, %add3A_34 : i32
      %add3A_36 = arith.constant 1 : i32
      %add3A_37 = arith.addi %add3A_35, %add3A_36 : i32
      %lt3A = arith.constant 106 : i32
      %lt3A_38 = arith.cmpi slt, %add3A_37, %lt3A : i32
      %convert_element_type3A_39 = arith.extui %lt3A_38 : i1 to i32
      %cond3A_40 = arith.constant 0 : i32
      %cond3A_41 = arith.cmpi ne, %convert_element_type3A_39, %cond3A_40 : i32
      scf.if %cond3A_41 {
        %mul3A_92 = arith.constant 96 : i32
        %mul3A_93 = arith.muli %add3A_37, %mul3A_92 : i32
        %dma_start3A_94 = arith.constant 0 : i32
        %dma_start3A_95 = arith.constant 0 : i32
        %dma_start3A_96 = tpu.memref_slice %arg11[%dma_start3A_94, %dma_start3A_95] : memref<96x128xf32, #tpu.memory_space<vmem>> -> memref<48x128xf32, #tpu.memory_space<vmem>>
        %dma_start3A_97 = tpu.memref_slice %arg8[%mul3A_93] : memref<10176xi32, #tpu.memory_space<vmem>> -> memref<48xi32, #tpu.memory_space<vmem>>
        %dma_start3A_98 = arith.constant 0 : i32
        %dma_start3A_99 = arith.constant 0 : i32
        %dma_start3A_100 = tpu.memref_slice %arg2[%dma_start3A_98, %dma_start3A_99] : memref<10000x128xf32, #tpu.memory_space<hbm>> -> memref<10000x128xf32, #tpu.memory_space<hbm>>
        tpu.enqueue_indirect_dma source(%dma_start3A_100 : memref<10000x128xf32, #tpu.memory_space<hbm>>) target(%dma_start3A_96 : memref<48x128xf32, #tpu.memory_space<vmem>>) offsets(%dma_start3A_97 : memref<48xi32, #tpu.memory_space<vmem>>) semaphore(%arg14 : memref<!tpu.dma_semaphore, #tpu.memory_space<semaphore_mem>>)
        %mul3A_101 = arith.constant 96 : i32
        %mul3A_102 = arith.muli %add3A_37, %mul3A_101 : i32
        %add3A_103 = arith.constant 48 : i32
        %add3A_104 = arith.addi %mul3A_102, %add3A_103 : i32
        %dma_start3A_105 = arith.constant 48 : i32
        %dma_start3A_106 = arith.constant 0 : i32
        %dma_start3A_107 = tpu.memref_slice %arg11[%dma_start3A_105, %dma_start3A_106] : memref<96x128xf32, #tpu.memory_space<vmem>> -> memref<48x128xf32, #tpu.memory_space<vmem>>
        %dma_start3A_108 = tpu.memref_slice %arg8[%add3A_104] : memref<10176xi32, #tpu.memory_space<vmem>> -> memref<48xi32, #tpu.memory_space<vmem>>
        %dma_start3A_109 = arith.constant 0 : i32
        %dma_start3A_110 = arith.constant 0 : i32
        %dma_start3A_111 = tpu.memref_slice %arg2[%dma_start3A_109, %dma_start3A_110] : memref<10000x128xf32, #tpu.memory_space<hbm>> -> memref<10000x128xf32, #tpu.memory_space<hbm>>
        tpu.enqueue_indirect_dma source(%dma_start3A_111 : memref<10000x128xf32, #tpu.memory_space<hbm>>) target(%dma_start3A_107 : memref<48x128xf32, #tpu.memory_space<vmem>>) offsets(%dma_start3A_108 : memref<48xi32, #tpu.memory_space<vmem>>) semaphore(%arg15 : memref<!tpu.dma_semaphore, #tpu.memory_space<semaphore_mem>>)
      } else {
      }
      %mul3A_42 = arith.constant 96 : i32
      %mul3A_43 = arith.muli %add3A_35, %mul3A_42 : i32
      %dma_wait3A = arith.constant 0 : i32
      %dma_wait3A_44 = arith.constant 0 : i32
      %dma_wait3A_45 = tpu.memref_slice %arg10[%dma_wait3A, %dma_wait3A_44] : memref<96x128xf32, #tpu.memory_space<vmem>> -> memref<48x128xf32, #tpu.memory_space<vmem>>
      %dma_wait3A_46 = tpu.memref_slice %arg8[%mul3A_43] : memref<10176xi32, #tpu.memory_space<vmem>> -> memref<48xi32, #tpu.memory_space<vmem>>
      %dma_wait3A_47 = arith.constant 0 : i32
      %dma_wait3A_48 = arith.constant 0 : i32
      %dma_wait3A_49 = tpu.memref_slice %arg2[%dma_wait3A_47, %dma_wait3A_48] : memref<10000x128xf32, #tpu.memory_space<hbm>> -> memref<10000x128xf32, #tpu.memory_space<hbm>>
      tpu.wait_indirect_dma semaphore(%arg12 : memref<!tpu.dma_semaphore, #tpu.memory_space<semaphore_mem>>) src(%dma_wait3A_49 : memref<10000x128xf32, #tpu.memory_space<hbm>>) dst(%dma_wait3A_45 : memref<48x128xf32, #tpu.memory_space<vmem>>)
      %mul3A_50 = arith.constant 96 : i32
      %mul3A_51 = arith.muli %add3A_35, %mul3A_50 : i32
      %add3A_52 = arith.constant 48 : i32
      %add3A_53 = arith.addi %mul3A_51, %add3A_52 : i32
      %dma_wait3A_54 = arith.constant 48 : i32
      %dma_wait3A_55 = arith.constant 0 : i32
      %dma_wait3A_56 = tpu.memref_slice %arg10[%dma_wait3A_54, %dma_wait3A_55] : memref<96x128xf32, #tpu.memory_space<vmem>> -> memref<48x128xf32, #tpu.memory_space<vmem>>
      %dma_wait3A_57 = tpu.memref_slice %arg8[%add3A_53] : memref<10176xi32, #tpu.memory_space<vmem>> -> memref<48xi32, #tpu.memory_space<vmem>>
      %dma_wait3A_58 = arith.constant 0 : i32
      %dma_wait3A_59 = arith.constant 0 : i32
      %dma_wait3A_60 = tpu.memref_slice %arg2[%dma_wait3A_58, %dma_wait3A_59] : memref<10000x128xf32, #tpu.memory_space<hbm>> -> memref<10000x128xf32, #tpu.memory_space<hbm>>
      tpu.wait_indirect_dma semaphore(%arg13 : memref<!tpu.dma_semaphore, #tpu.memory_space<semaphore_mem>>) src(%dma_wait3A_60 : memref<10000x128xf32, #tpu.memory_space<hbm>>) dst(%dma_wait3A_56 : memref<48x128xf32, #tpu.memory_space<vmem>>)
      "tpu.region"() ({
        %run_scoped3A = tpu.sem_alloc : memref<!tpu.dma_semaphore, #tpu.memory_space<semaphore_mem>>
        %dma_start3A_92 = arith.constant 0 : i32
        %dma_start3A_93 = tpu.memref_slice %arg9[%add3A_35, %dma_start3A_92] : memref<106x96xi32, #tpu.memory_space<vmem>> -> memref<1x96xi32, #tpu.memory_space<vmem>>
        %dma_start3A_94 = tpu.memref_squeeze %dma_start3A_93 : memref<1x96xi32, #tpu.memory_space<vmem>> -> memref<96xi32, #tpu.memory_space<vmem>>
        %dma_start3A_95 = arith.constant 0 : i32
        %dma_start3A_96 = arith.constant 0 : i32
        %dma_start3A_97 = tpu.memref_slice %arg16[%dma_start3A_95, %dma_start3A_96] : memref<10112x128xf32, #tpu.memory_space<vmem_shared>> -> memref<10112x128xf32, #tpu.memory_space<vmem_shared>>
        tpu.enqueue_indirect_dma source(%arg10 : memref<96x128xf32, #tpu.memory_space<vmem>>) target(%dma_start3A_97 : memref<10112x128xf32, #tpu.memory_space<vmem_shared>>) offsets(%dma_start3A_94 : memref<96xi32, #tpu.memory_space<vmem>>) semaphore(%run_scoped3A : memref<!tpu.dma_semaphore, #tpu.memory_space<semaphore_mem>>) {add = true}
        %dma_wait3A_98 = arith.constant 0 : i32
        %dma_wait3A_99 = tpu.memref_slice %arg9[%add3A_35, %dma_wait3A_98] : memref<106x96xi32, #tpu.memory_space<vmem>> -> memref<1x96xi32, #tpu.memory_space<vmem>>
        %dma_wait3A_100 = tpu.memref_squeeze %dma_wait3A_99 : memref<1x96xi32, #tpu.memory_space<vmem>> -> memref<96xi32, #tpu.memory_space<vmem>>
        %dma_wait3A_101 = arith.constant 0 : i32
        %dma_wait3A_102 = arith.constant 0 : i32
        %dma_wait3A_103 = tpu.memref_slice %arg16[%dma_wait3A_101, %dma_wait3A_102] : memref<10112x128xf32, #tpu.memory_space<vmem_shared>> -> memref<10112x128xf32, #tpu.memory_space<vmem_shared>>
        tpu.wait_indirect_dma semaphore(%run_scoped3A : memref<!tpu.dma_semaphore, #tpu.memory_space<semaphore_mem>>) src(%arg10 : memref<96x128xf32, #tpu.memory_space<vmem>>) dst(%dma_wait3A_103 : memref<10112x128xf32, #tpu.memory_space<vmem_shared>>)
        tpu.yield
      }) : () -> ()
      %mul3A_61 = arith.constant 2 : i32
      %mul3A_62 = arith.muli %mul3A_61, %scan3A_31 : i32
      %add3A_63 = arith.constant 1 : i32
      %add3A_64 = arith.addi %mul3A_62, %add3A_63 : i32
      %add3A_65 = arith.constant 1 : i32
      %add3A_66 = arith.addi %add3A_64, %add3A_65 : i32
      %lt3A_67 = arith.constant 106 : i32
      %lt3A_68 = arith.cmpi slt, %add3A_66, %lt3A_67 : i32
      %convert_element_type3A_69 = arith.extui %lt3A_68 : i1 to i32
      %cond3A_70 = arith.constant 0 : i32
      %cond3A_71 = arith.cmpi ne, %convert_element_type3A_69, %cond3A_70 : i32
      scf.if %cond3A_71 {
        %mul3A_92 = arith.constant 96 : i32
        %mul3A_93 = arith.muli %add3A_66, %mul3A_92 : i32
        %dma_start3A_94 = arith.constant 0 : i32
        %dma_start3A_95 = arith.constant 0 : i32
        %dma_start3A_96 = tpu.memref_slice %arg10[%dma_start3A_94, %dma_start3A_95] : memref<96x128xf32, #tpu.memory_space<vmem>> -> memref<48x128xf32, #tpu.memory_space<vmem>>
        %dma_start3A_97 = tpu.memref_slice %arg8[%mul3A_93] : memref<10176xi32, #tpu.memory_space<vmem>> -> memref<48xi32, #tpu.memory_space<vmem>>
        %dma_start3A_98 = arith.constant 0 : i32
        %dma_start3A_99 = arith.constant 0 : i32
        %dma_start3A_100 = tpu.memref_slice %arg2[%dma_start3A_98, %dma_start3A_99] : memref<10000x128xf32, #tpu.memory_space<hbm>> -> memref<10000x128xf32, #tpu.memory_space<hbm>>
        tpu.enqueue_indirect_dma source(%dma_start3A_100 : memref<10000x128xf32, #tpu.memory_space<hbm>>) target(%dma_start3A_96 : memref<48x128xf32, #tpu.memory_space<vmem>>) offsets(%dma_start3A_97 : memref<48xi32, #tpu.memory_space<vmem>>) semaphore(%arg12 : memref<!tpu.dma_semaphore, #tpu.memory_space<semaphore_mem>>)
        %mul3A_101 = arith.constant 96 : i32
        %mul3A_102 = arith.muli %add3A_66, %mul3A_101 : i32
        %add3A_103 = arith.constant 48 : i32
        %add3A_104 = arith.addi %mul3A_102, %add3A_103 : i32
        %dma_start3A_105 = arith.constant 48 : i32
        %dma_start3A_106 = arith.constant 0 : i32
        %dma_start3A_107 = tpu.memref_slice %arg10[%dma_start3A_105, %dma_start3A_106] : memref<96x128xf32, #tpu.memory_space<vmem>> -> memref<48x128xf32, #tpu.memory_space<vmem>>
        %dma_start3A_108 = tpu.memref_slice %arg8[%add3A_104] : memref<10176xi32, #tpu.memory_space<vmem>> -> memref<48xi32, #tpu.memory_space<vmem>>
        %dma_start3A_109 = arith.constant 0 : i32
        %dma_start3A_110 = arith.constant 0 : i32
        %dma_start3A_111 = tpu.memref_slice %arg2[%dma_start3A_109, %dma_start3A_110] : memref<10000x128xf32, #tpu.memory_space<hbm>> -> memref<10000x128xf32, #tpu.memory_space<hbm>>
        tpu.enqueue_indirect_dma source(%dma_start3A_111 : memref<10000x128xf32, #tpu.memory_space<hbm>>) target(%dma_start3A_107 : memref<48x128xf32, #tpu.memory_space<vmem>>) offsets(%dma_start3A_108 : memref<48xi32, #tpu.memory_space<vmem>>) semaphore(%arg13 : memref<!tpu.dma_semaphore, #tpu.memory_space<semaphore_mem>>)
      } else {
      }
      %mul3A_72 = arith.constant 96 : i32
      %mul3A_73 = arith.muli %add3A_64, %mul3A_72 : i32
      %dma_wait3A_74 = arith.constant 0 : i32
      %dma_wait3A_75 = arith.constant 0 : i32
      %dma_wait3A_76 = tpu.memref_slice %arg11[%dma_wait3A_74, %dma_wait3A_75] : memref<96x128xf32, #tpu.memory_space<vmem>> -> memref<48x128xf32, #tpu.memory_space<vmem>>
      %dma_wait3A_77 = tpu.memref_slice %arg8[%mul3A_73] : memref<10176xi32, #tpu.memory_space<vmem>> -> memref<48xi32, #tpu.memory_space<vmem>>
      %dma_wait3A_78 = arith.constant 0 : i32
      %dma_wait3A_79 = arith.constant 0 : i32
      %dma_wait3A_80 = tpu.memref_slice %arg2[%dma_wait3A_78, %dma_wait3A_79] : memref<10000x128xf32, #tpu.memory_space<hbm>> -> memref<10000x128xf32, #tpu.memory_space<hbm>>
      tpu.wait_indirect_dma semaphore(%arg14 : memref<!tpu.dma_semaphore, #tpu.memory_space<semaphore_mem>>) src(%dma_wait3A_80 : memref<10000x128xf32, #tpu.memory_space<hbm>>) dst(%dma_wait3A_76 : memref<48x128xf32, #tpu.memory_space<vmem>>)
      %mul3A_81 = arith.constant 96 : i32
      %mul3A_82 = arith.muli %add3A_64, %mul3A_81 : i32
      %add3A_83 = arith.constant 48 : i32
      %add3A_84 = arith.addi %mul3A_82, %add3A_83 : i32
      %dma_wait3A_85 = arith.constant 48 : i32
      %dma_wait3A_86 = arith.constant 0 : i32
      %dma_wait3A_87 = tpu.memref_slice %arg11[%dma_wait3A_85, %dma_wait3A_86] : memref<96x128xf32, #tpu.memory_space<vmem>> -> memref<48x128xf32, #tpu.memory_space<vmem>>
      %dma_wait3A_88 = tpu.memref_slice %arg8[%add3A_84] : memref<10176xi32, #tpu.memory_space<vmem>> -> memref<48xi32, #tpu.memory_space<vmem>>
      %dma_wait3A_89 = arith.constant 0 : i32
      %dma_wait3A_90 = arith.constant 0 : i32
      %dma_wait3A_91 = tpu.memref_slice %arg2[%dma_wait3A_89, %dma_wait3A_90] : memref<10000x128xf32, #tpu.memory_space<hbm>> -> memref<10000x128xf32, #tpu.memory_space<hbm>>
      tpu.wait_indirect_dma semaphore(%arg15 : memref<!tpu.dma_semaphore, #tpu.memory_space<semaphore_mem>>) src(%dma_wait3A_91 : memref<10000x128xf32, #tpu.memory_space<hbm>>) dst(%dma_wait3A_87 : memref<48x128xf32, #tpu.memory_space<vmem>>)
      "tpu.region"() ({
        %run_scoped3A = tpu.sem_alloc : memref<!tpu.dma_semaphore, #tpu.memory_space<semaphore_mem>>
        %dma_start3A_92 = arith.constant 0 : i32
        %dma_start3A_93 = tpu.memref_slice %arg9[%add3A_64, %dma_start3A_92] : memref<106x96xi32, #tpu.memory_space<vmem>> -> memref<1x96xi32, #tpu.memory_space<vmem>>
        %dma_start3A_94 = tpu.memref_squeeze %dma_start3A_93 : memref<1x96xi32, #tpu.memory_space<vmem>> -> memref<96xi32, #tpu.memory_space<vmem>>
        %dma_start3A_95 = arith.constant 0 : i32
        %dma_start3A_96 = arith.constant 0 : i32
        %dma_start3A_97 = tpu.memref_slice %arg16[%dma_start3A_95, %dma_start3A_96] : memref<10112x128xf32, #tpu.memory_space<vmem_shared>> -> memref<10112x128xf32, #tpu.memory_space<vmem_shared>>
        tpu.enqueue_indirect_dma source(%arg11 : memref<96x128xf32, #tpu.memory_space<vmem>>) target(%dma_start3A_97 : memref<10112x128xf32, #tpu.memory_space<vmem_shared>>) offsets(%dma_start3A_94 : memref<96xi32, #tpu.memory_space<vmem>>) semaphore(%run_scoped3A : memref<!tpu.dma_semaphore, #tpu.memory_space<semaphore_mem>>) {add = true}
        %dma_wait3A_98 = arith.constant 0 : i32
        %dma_wait3A_99 = tpu.memref_slice %arg9[%add3A_64, %dma_wait3A_98] : memref<106x96xi32, #tpu.memory_space<vmem>> -> memref<1x96xi32, #tpu.memory_space<vmem>>
        %dma_wait3A_100 = tpu.memref_squeeze %dma_wait3A_99 : memref<1x96xi32, #tpu.memory_space<vmem>> -> memref<96xi32, #tpu.memory_space<vmem>>
        %dma_wait3A_101 = arith.constant 0 : i32
        %dma_wait3A_102 = arith.constant 0 : i32
        %dma_wait3A_103 = tpu.memref_slice %arg16[%dma_wait3A_101, %dma_wait3A_102] : memref<10112x128xf32, #tpu.memory_space<vmem_shared>> -> memref<10112x128xf32, #tpu.memory_space<vmem_shared>>
        tpu.wait_indirect_dma semaphore(%run_scoped3A : memref<!tpu.dma_semaphore, #tpu.memory_space<semaphore_mem>>) src(%arg11 : memref<96x128xf32, #tpu.memory_space<vmem>>) dst(%dma_wait3A_103 : memref<10112x128xf32, #tpu.memory_space<vmem_shared>>)
        tpu.yield
      }) : () -> ()
    }
    %scan3A_22 = arith.constant 53 : i32
    %barrier3A_23 = arith.constant 0 : index
    tpu.barrier barrier_id(%barrier3A_23)
    %eq3A = arith.constant 0 : i32
    %eq3A_24 = arith.cmpi eq, %arg0, %eq3A : i32
    %convert_element_type3A = arith.extui %eq3A_24 : i1 to i32
    %cond3A = arith.constant 0 : i32
    %cond3A_25 = arith.cmpi ne, %convert_element_type3A, %cond3A : i32
    scf.if %cond3A_25 {
      "tpu.region"() ({
        %run_scoped3A = tpu.sem_alloc : memref<!tpu.dma_semaphore, #tpu.memory_space<semaphore_mem>>
        %dma_start3A_31 = arith.constant 0 : i32
        %dma_start3A_32 = tpu.memref_slice %arg6[%mul3A_2, %dma_start3A_31] : memref<10112x128xf32, #tpu.memory_space<hbm>> -> memref<632x128xf32, #tpu.memory_space<hbm>>
        %dma_start3A_33 = arith.constant 0 : i32
        %dma_start3A_34 = tpu.memref_slice %arg16[%mul3A_2, %dma_start3A_33] : memref<10112x128xf32, #tpu.memory_space<vmem_shared>> -> memref<632x128xf32, #tpu.memory_space<vmem_shared>>
        tpu.enqueue_dma source(%dma_start3A_34 : memref<632x128xf32, #tpu.memory_space<vmem_shared>>) target(%dma_start3A_32 : memref<632x128xf32, #tpu.memory_space<hbm>>) target_semaphore(%run_scoped3A : memref<!tpu.dma_semaphore, #tpu.memory_space<semaphore_mem>>)
        %dma_wait3A = arith.constant 0 : i32
        %dma_wait3A_35 = tpu.memref_slice %arg6[%mul3A_2, %dma_wait3A] : memref<10112x128xf32, #tpu.memory_space<hbm>> -> memref<632x128xf32, #tpu.memory_space<hbm>>
        %dma_wait3A_36 = arith.constant 0 : i32
        %dma_wait3A_37 = tpu.memref_slice %arg16[%mul3A_2, %dma_wait3A_36] : memref<10112x128xf32, #tpu.memory_space<vmem_shared>> -> memref<632x128xf32, #tpu.memory_space<vmem_shared>>
        tpu.wait_dma2 semaphore(%run_scoped3A : memref<!tpu.dma_semaphore, #tpu.memory_space<semaphore_mem>>) src(%dma_wait3A_37 : memref<632x128xf32, #tpu.memory_space<vmem_shared>>) dst(%dma_wait3A_35 : memref<632x128xf32, #tpu.memory_space<hbm>>)
        tpu.yield
      }) : () -> ()
    } else {
    }
    %eq3A_26 = arith.constant 1 : i32
    %eq3A_27 = arith.cmpi eq, %arg0, %eq3A_26 : i32
    %convert_element_type3A_28 = arith.extui %eq3A_27 : i1 to i32
    %cond3A_29 = arith.constant 0 : i32
    %cond3A_30 = arith.cmpi ne, %convert_element_type3A_28, %cond3A_29 : i32
    scf.if %cond3A_30 {
      "tpu.region"() ({
        %run_scoped3A = tpu.sem_alloc : memref<!tpu.dma_semaphore, #tpu.memory_space<semaphore_mem>>
        %dma_start3A_31 = arith.constant 0 : i32
        %dma_start3A_32 = tpu.memref_slice %arg7[%mul3A_2, %dma_start3A_31] : memref<10112x128xf32, #tpu.memory_space<hbm>> -> memref<632x128xf32, #tpu.memory_space<hbm>>
        %dma_start3A_33 = arith.constant 0 : i32
        %dma_start3A_34 = tpu.memref_slice %arg16[%mul3A_2, %dma_start3A_33] : memref<10112x128xf32, #tpu.memory_space<vmem_shared>> -> memref<632x128xf32, #tpu.memory_space<vmem_shared>>
        tpu.enqueue_dma source(%dma_start3A_34 : memref<632x128xf32, #tpu.memory_space<vmem_shared>>) target(%dma_start3A_32 : memref<632x128xf32, #tpu.memory_space<hbm>>) target_semaphore(%run_scoped3A : memref<!tpu.dma_semaphore, #tpu.memory_space<semaphore_mem>>)
        %dma_wait3A = arith.constant 0 : i32
        %dma_wait3A_35 = tpu.memref_slice %arg7[%mul3A_2, %dma_wait3A] : memref<10112x128xf32, #tpu.memory_space<hbm>> -> memref<632x128xf32, #tpu.memory_space<hbm>>
        %dma_wait3A_36 = arith.constant 0 : i32
        %dma_wait3A_37 = tpu.memref_slice %arg16[%mul3A_2, %dma_wait3A_36] : memref<10112x128xf32, #tpu.memory_space<vmem_shared>> -> memref<632x128xf32, #tpu.memory_space<vmem_shared>>
        tpu.wait_dma2 semaphore(%run_scoped3A : memref<!tpu.dma_semaphore, #tpu.memory_space<semaphore_mem>>) src(%dma_wait3A_37 : memref<632x128xf32, #tpu.memory_space<vmem_shared>>) dst(%dma_wait3A_35 : memref<632x128xf32, #tpu.memory_space<hbm>>)
        tpu.yield
      }) : () -> ()
    } else {
    }
    return
  }
}

module attributes {stable_mosaic.version = 14 : i64} {
  func.func @_dex_body(%arg0: memref<2x320000xi32, #tpu.memory_space<vmem>>, %arg1: memref<2x5632xi32, #tpu.memory_space<vmem>>, %arg2: memref<325632xi32, #tpu.memory_space<vmem>>, %arg3: memref<325632xi32, #tpu.memory_space<vmem>>) attributes {dimension_semantics = [], scalar_prefetch = 0 : i64, scratch_operands = 0 : i64, tpu.core_type = #tpu.core_type<tc>} {
    %get3A = arith.constant 0 : index
    %get3A_0 = arith.constant 0 : index
    %get3A_1 = vector.load %arg0[%get3A, %get3A_0] : memref<2x320000xi32, #tpu.memory_space<vmem>>, vector<1x320000xi32>
    %get3A_2 = vector.shape_cast %get3A_1 : vector<1x320000xi32> to vector<320000xi32>
    %get3A_3 = arith.constant 0 : index
    %get3A_4 = arith.constant 0 : index
    %get3A_5 = vector.load %arg1[%get3A_3, %get3A_4] : memref<2x5632xi32, #tpu.memory_space<vmem>>, vector<1x5632xi32>
    %get3A_6 = vector.shape_cast %get3A_5 : vector<1x5632xi32> to vector<5632xi32>
    %concatenate3A = tpu.concatenate %get3A_2, %get3A_6 in 0 : vector<320000xi32>, vector<5632xi32> -> vector<325632xi32>
    %swap3A = arith.constant 0 : index
    %swap3A_7 = vector.load %arg2[%swap3A] : memref<325632xi32, #tpu.memory_space<vmem>>, vector<325632xi32>
    tpu.vector_store %arg2[%swap3A], %concatenate3A {strides = array<i32>} : memref<325632xi32, #tpu.memory_space<vmem>>, vector<325632xi32>,
    %get3A_8 = arith.constant 1 : index
    %get3A_9 = arith.constant 0 : index
    %get3A_10 = vector.load %arg0[%get3A_8, %get3A_9] : memref<2x320000xi32, #tpu.memory_space<vmem>>, vector<1x320000xi32>
    %get3A_11 = vector.shape_cast %get3A_10 : vector<1x320000xi32> to vector<320000xi32>
    %get3A_12 = arith.constant 1 : index
    %get3A_13 = arith.constant 0 : index
    %get3A_14 = vector.load %arg1[%get3A_12, %get3A_13] : memref<2x5632xi32, #tpu.memory_space<vmem>>, vector<1x5632xi32>
    %get3A_15 = vector.shape_cast %get3A_14 : vector<1x5632xi32> to vector<5632xi32>
    %concatenate3A_16 = tpu.concatenate %get3A_11, %get3A_15 in 0 : vector<320000xi32>, vector<5632xi32> -> vector<325632xi32>
    %swap3A_17 = arith.constant 0 : index
    %swap3A_18 = vector.load %arg3[%swap3A_17] : memref<325632xi32, #tpu.memory_space<vmem>>, vector<325632xi32>
    tpu.vector_store %arg3[%swap3A_17], %concatenate3A_16 {strides = array<i32>} : memref<325632xi32, #tpu.memory_space<vmem>>, vector<325632xi32>,
    return
  }
}

module attributes {stable_mosaic.version = 14 : i64} {
  func.func @_mm_body(%arg0: i32, %arg1: memref<1000x128xf32, #tpu.memory_space<vmem>>, %arg2: memref<128x128xf32, #tpu.memory_space<vmem>>, %arg3: memref<1000x128xf32, #tpu.memory_space<vmem>>) attributes {dimension_semantics = [#tpu.dimension_semantics<arbitrary>], iteration_bounds = array<i64: 10>, scalar_prefetch = 0 : i64, scratch_operands = 0 : i64, tpu.core_type = #tpu.core_type<tc>, window_params = [{transform_indices = @transform_0, window_bounds = array<i64: 1000, 128>}, {pipeline_mode = #tpu.pipeline_mode<synchronous>, transform_indices = @transform_1, window_bounds = array<i64: 128, 128>}, {transform_indices = @transform_2, window_bounds = array<i64: 1000, 128>}]} {
    %get3A = arith.constant 0 : index
    %get3A_0 = arith.constant 0 : index
    %get3A_1 = vector.load %arg1[%get3A, %get3A_0] : memref<1000x128xf32, #tpu.memory_space<vmem>>, vector<1000x128xf32>
    %get3A_2 = arith.constant 0 : index
    %get3A_3 = arith.constant 0 : index
    %get3A_4 = vector.load %arg2[%get3A_2, %get3A_3] : memref<128x128xf32, #tpu.memory_space<vmem>>, vector<128x128xf32>
    %dot_general3A = arith.constant dense<0.000000e+00> : vector<1000x128xf32>
    %dot_general3A_5 = tpu.matmul %get3A_1, %get3A_4, %dot_general3A {dimension_numbers = #tpu.dot_dimension_numbers<[1], [0], [0], [1], [0, 0, 1, 1], [], []>, transpose_lhs_hint = false} : vector<1000x128xf32>, vector<128x128xf32>, vector<1000x128xf32> -> vector<1000x128xf32>
    %swap3A = arith.constant 0 : index
    %swap3A_6 = arith.constant 0 : index
    %swap3A_7 = vector.load %arg3[%swap3A, %swap3A_6] : memref<1000x128xf32, #tpu.memory_space<vmem>>, vector<1000x128xf32>
    tpu.vector_store %arg3[%swap3A, %swap3A_6], %dot_general3A_5 {strides = array<i32>} : memref<1000x128xf32, #tpu.memory_space<vmem>>, vector<1000x128xf32>,
    return
  }
  func.func @transform_0(%arg0: i32) -> (i32, i32) {
    %c0_i32 = arith.constant 0 : i32
    %c0_i32_0 = arith.constant 0 : i32
    return %arg0, %c0_i32 : i32, i32
  }
  func.func @transform_1(%arg0: i32) -> (i32, i32) {
    %c0_i32 = arith.constant 0 : i32
    %c0_i32_0 = arith.constant 0 : i32
    %c0_i32_1 = arith.constant 0 : i32
    return %c0_i32, %c0_i32_0 : i32, i32
  }
  func.func @transform_2(%arg0: i32) -> (i32, i32) {
    %c0_i32 = arith.constant 0 : i32
    %c0_i32_0 = arith.constant 0 : i32
    return %arg0, %c0_i32 : i32, i32
  }
}

module attributes {stable_mosaic.version = 14 : i64} {
  func.func @_gru_body(%arg0: i32, %arg1: memref<1000x128xf32, #tpu.memory_space<vmem>>, %arg2: memref<1000x128xf32, #tpu.memory_space<vmem>>, %arg3: memref<1000x128xf32, #tpu.memory_space<vmem>>, %arg4: memref<384x128xf32, #tpu.memory_space<vmem>>, %arg5: memref<384x128xf32, #tpu.memory_space<vmem>>, %arg6: memref<1x384xf32, #tpu.memory_space<vmem>>, %arg7: memref<1x384xf32, #tpu.memory_space<vmem>>, %arg8: memref<128x128xf32, #tpu.memory_space<vmem>>, %arg9: memref<1000x128xf32, #tpu.memory_space<vmem>>, %arg10: memref<1000x128xf32, #tpu.memory_space<vmem>>) attributes {dimension_semantics = [#tpu.dimension_semantics<arbitrary>], iteration_bounds = array<i64: 10>, scalar_prefetch = 0 : i64, scratch_operands = 0 : i64, tpu.core_type = #tpu.core_type<tc>, window_params = [{transform_indices = @transform_0, window_bounds = array<i64: 1000, 128>}, {transform_indices = @transform_1, window_bounds = array<i64: 1000, 128>}, {transform_indices = @transform_2, window_bounds = array<i64: 1000, 128>}, {pipeline_mode = #tpu.pipeline_mode<synchronous>, transform_indices = @transform_3, window_bounds = array<i64: 384, 128>}, {pipeline_mode = #tpu.pipeline_mode<synchronous>, transform_indices = @transform_4, window_bounds = array<i64: 384, 128>}, {pipeline_mode = #tpu.pipeline_mode<synchronous>, transform_indices = @transform_5, window_bounds = array<i64: 1, 384>}, {pipeline_mode = #tpu.pipeline_mode<synchronous>, transform_indices = @transform_6, window_bounds = array<i64: 1, 384>}, {pipeline_mode = #tpu.pipeline_mode<synchronous>, transform_indices = @transform_7, window_bounds = array<i64: 128, 128>}, {transform_indices = @transform_8, window_bounds = array<i64: 1000, 128>}, {transform_indices = @transform_9, window_bounds = array<i64: 1000, 128>}]} {
    %get3A = arith.constant 0 : index
    %get3A_0 = arith.constant 0 : index
    %get3A_1 = vector.load %arg1[%get3A, %get3A_0] : memref<1000x128xf32, #tpu.memory_space<vmem>>, vector<1000x128xf32>
    %get3A_2 = arith.constant 0 : index
    %get3A_3 = arith.constant 0 : index
    %get3A_4 = vector.load %arg2[%get3A_2, %get3A_3] : memref<1000x128xf32, #tpu.memory_space<vmem>>, vector<1000x128xf32>
    %add3A = arith.addf %get3A_1, %get3A_4 : vector<1000x128xf32>
    %get3A_5 = arith.constant 0 : index
    %get3A_6 = arith.constant 0 : index
    %get3A_7 = vector.load %arg3[%get3A_5, %get3A_6] : memref<1000x128xf32, #tpu.memory_space<vmem>>, vector<1000x128xf32>
    %get3A_8 = arith.constant 0 : index
    %get3A_9 = arith.constant 0 : index
    %get3A_10 = vector.load %arg4[%get3A_8, %get3A_9] : memref<384x128xf32, #tpu.memory_space<vmem>>, vector<384x128xf32>
    %dot_general3A = arith.constant dense<0.000000e+00> : vector<1000x384xf32>
    %dot_general3A_11 = tpu.matmul %add3A, %get3A_10, %dot_general3A {dimension_numbers = #tpu.dot_dimension_numbers<[1], [1], [0], [0], [0, 0, 1, 0], [], []>, transpose_lhs_hint = false} : vector<1000x128xf32>, vector<384x128xf32>, vector<1000x384xf32> -> vector<1000x384xf32>
    %get3A_12 = arith.constant 0 : index
    %get3A_13 = arith.constant 0 : index
    %get3A_14 = vector.load %arg6[%get3A_12, %get3A_13] : memref<1x384xf32, #tpu.memory_space<vmem>>, vector<1x384xf32>
    %add3A_15 = vector.broadcast %get3A_14 : vector<1x384xf32> to vector<1000x384xf32>
    %add3A_16 = arith.addf %dot_general3A_11, %add3A_15 : vector<1000x384xf32>
    %get3A_17 = arith.constant 0 : index
    %get3A_18 = arith.constant 0 : index
    %get3A_19 = vector.load %arg5[%get3A_17, %get3A_18] : memref<384x128xf32, #tpu.memory_space<vmem>>, vector<384x128xf32>
    %dot_general3A_20 = arith.constant dense<0.000000e+00> : vector<1000x384xf32>
    %dot_general3A_21 = tpu.matmul %get3A_7, %get3A_19, %dot_general3A_20 {dimension_numbers = #tpu.dot_dimension_numbers<[1], [1], [0], [0], [0, 0, 1, 0], [], []>, transpose_lhs_hint = false} : vector<1000x128xf32>, vector<384x128xf32>, vector<1000x384xf32> -> vector<1000x384xf32>
    %get3A_22 = arith.constant 0 : index
    %get3A_23 = arith.constant 0 : index
    %get3A_24 = vector.load %arg7[%get3A_22, %get3A_23] : memref<1x384xf32, #tpu.memory_space<vmem>>, vector<1x384xf32>
    %add3A_25 = vector.broadcast %get3A_24 : vector<1x384xf32> to vector<1000x384xf32>
    %add3A_26 = arith.addf %dot_general3A_21, %add3A_25 : vector<1000x384xf32>
    %slice3A = vector.extract_strided_slice %add3A_16 {offsets = [0, 0], sizes = [1000, 128], strides = [1, 1]} : vector<1000x384xf32> to vector<1000x128xf32>
    %slice3A_27 = vector.extract_strided_slice %add3A_26 {offsets = [0, 0], sizes = [1000, 128], strides = [1, 1]} : vector<1000x384xf32> to vector<1000x128xf32>
    %add3A_28 = arith.addf %slice3A, %slice3A_27 : vector<1000x128xf32>
    %logistic3A = arith.negf %add3A_28 : vector<1000x128xf32>
    %logistic3A_29 = math.exp %logistic3A : vector<1000x128xf32>
    %logistic3A_30 = arith.constant 1.000000e+00 : f32
    %logistic3A_31 = vector.broadcast %logistic3A_30 : f32 to vector<1000x128xf32>
    %logistic3A_32 = arith.addf %logistic3A_31, %logistic3A_29 : vector<1000x128xf32>
    %logistic3A_33 = arith.divf %logistic3A_31, %logistic3A_32 : vector<1000x128xf32>
    %slice3A_34 = vector.extract_strided_slice %add3A_16 {offsets = [0, 128], sizes = [1000, 128], strides = [1, 1]} : vector<1000x384xf32> to vector<1000x128xf32>
    %slice3A_35 = vector.extract_strided_slice %add3A_26 {offsets = [0, 128], sizes = [1000, 128], strides = [1, 1]} : vector<1000x384xf32> to vector<1000x128xf32>
    %add3A_36 = arith.addf %slice3A_34, %slice3A_35 : vector<1000x128xf32>
    %logistic3A_37 = arith.negf %add3A_36 : vector<1000x128xf32>
    %logistic3A_38 = math.exp %logistic3A_37 : vector<1000x128xf32>
    %logistic3A_39 = arith.constant 1.000000e+00 : f32
    %logistic3A_40 = vector.broadcast %logistic3A_39 : f32 to vector<1000x128xf32>
    %logistic3A_41 = arith.addf %logistic3A_40, %logistic3A_38 : vector<1000x128xf32>
    %logistic3A_42 = arith.divf %logistic3A_40, %logistic3A_41 : vector<1000x128xf32>
    %slice3A_43 = vector.extract_strided_slice %add3A_16 {offsets = [0, 256], sizes = [1000, 128], strides = [1, 1]} : vector<1000x384xf32> to vector<1000x128xf32>
    %slice3A_44 = vector.extract_strided_slice %add3A_26 {offsets = [0, 256], sizes = [1000, 128], strides = [1, 1]} : vector<1000x384xf32> to vector<1000x128xf32>
    %mul3A = arith.mulf %logistic3A_33, %slice3A_44 : vector<1000x128xf32>
    %add3A_45 = arith.addf %slice3A_43, %mul3A : vector<1000x128xf32>
    %tanh3A = math.tanh %add3A_45 : vector<1000x128xf32>
    %sub3A = arith.constant 1.000000e+00 : f32
    %sub3A_46 = vector.broadcast %sub3A : f32 to vector<1000x128xf32>
    %sub3A_47 = arith.subf %sub3A_46, %logistic3A_42 : vector<1000x128xf32>
    %mul3A_48 = arith.mulf %sub3A_47, %tanh3A : vector<1000x128xf32>
    %mul3A_49 = arith.mulf %logistic3A_42, %get3A_7 : vector<1000x128xf32>
    %add3A_50 = arith.addf %mul3A_48, %mul3A_49 : vector<1000x128xf32>
    %swap3A = arith.constant 0 : index
    %swap3A_51 = arith.constant 0 : index
    %swap3A_52 = vector.load %arg9[%swap3A, %swap3A_51] : memref<1000x128xf32, #tpu.memory_space<vmem>>, vector<1000x128xf32>
    tpu.vector_store %arg9[%swap3A, %swap3A_51], %add3A_50 {strides = array<i32>} : memref<1000x128xf32, #tpu.memory_space<vmem>>, vector<1000x128xf32>,
    %get3A_53 = arith.constant 0 : index
    %get3A_54 = arith.constant 0 : index
    %get3A_55 = vector.load %arg8[%get3A_53, %get3A_54] : memref<128x128xf32, #tpu.memory_space<vmem>>, vector<128x128xf32>
    %dot_general3A_56 = arith.constant dense<0.000000e+00> : vector<1000x128xf32>
    %dot_general3A_57 = tpu.matmul %add3A_50, %get3A_55, %dot_general3A_56 {dimension_numbers = #tpu.dot_dimension_numbers<[1], [0], [0], [1], [0, 0, 1, 1], [], []>, transpose_lhs_hint = false} : vector<1000x128xf32>, vector<128x128xf32>, vector<1000x128xf32> -> vector<1000x128xf32>
    %swap3A_58 = arith.constant 0 : index
    %swap3A_59 = arith.constant 0 : index
    %swap3A_60 = vector.load %arg10[%swap3A_58, %swap3A_59] : memref<1000x128xf32, #tpu.memory_space<vmem>>, vector<1000x128xf32>
    tpu.vector_store %arg10[%swap3A_58, %swap3A_59], %dot_general3A_57 {strides = array<i32>} : memref<1000x128xf32, #tpu.memory_space<vmem>>, vector<1000x128xf32>,
    return
  }
  func.func @transform_0(%arg0: i32) -> (i32, i32) {
    %c0_i32 = arith.constant 0 : i32
    %c0_i32_0 = arith.constant 0 : i32
    return %arg0, %c0_i32 : i32, i32
  }
  func.func @transform_1(%arg0: i32) -> (i32, i32) {
    %c0_i32 = arith.constant 0 : i32
    %c0_i32_0 = arith.constant 0 : i32
    return %arg0, %c0_i32 : i32, i32
  }
  func.func @transform_2(%arg0: i32) -> (i32, i32) {
    %c0_i32 = arith.constant 0 : i32
    %c0_i32_0 = arith.constant 0 : i32
    return %arg0, %c0_i32 : i32, i32
  }
  func.func @transform_3(%arg0: i32) -> (i32, i32) {
    %c0_i32 = arith.constant 0 : i32
    %c0_i32_0 = arith.constant 0 : i32
    %c0_i32_1 = arith.constant 0 : i32
    return %c0_i32, %c0_i32_0 : i32, i32
  }
  func.func @transform_4(%arg0: i32) -> (i32, i32) {
    %c0_i32 = arith.constant 0 : i32
    %c0_i32_0 = arith.constant 0 : i32
    %c0_i32_1 = arith.constant 0 : i32
    return %c0_i32, %c0_i32_0 : i32, i32
  }
  func.func @transform_5(%arg0: i32) -> (i32, i32) {
    %c0_i32 = arith.constant 0 : i32
    %c0_i32_0 = arith.constant 0 : i32
    %c0_i32_1 = arith.constant 0 : i32
    return %c0_i32, %c0_i32_0 : i32, i32
  }
  func.func @transform_6(%arg0: i32) -> (i32, i32) {
    %c0_i32 = arith.constant 0 : i32
    %c0_i32_0 = arith.constant 0 : i32
    %c0_i32_1 = arith.constant 0 : i32
    return %c0_i32, %c0_i32_0 : i32, i32
  }
  func.func @transform_7(%arg0: i32) -> (i32, i32) {
    %c0_i32 = arith.constant 0 : i32
    %c0_i32_0 = arith.constant 0 : i32
    %c0_i32_1 = arith.constant 0 : i32
    return %c0_i32, %c0_i32_0 : i32, i32
  }
  func.func @transform_8(%arg0: i32) -> (i32, i32) {
    %c0_i32 = arith.constant 0 : i32
    %c0_i32_0 = arith.constant 0 : i32
    return %arg0, %c0_i32 : i32, i32
  }
  func.func @transform_9(%arg0: i32) -> (i32, i32) {
    %c0_i32 = arith.constant 0 : i32
    %c0_i32_0 = arith.constant 0 : i32
    return %arg0, %c0_i32 : i32, i32
  }
}

module attributes {stable_mosaic.version = 14 : i64} {
  func.func @_final_body(%arg0: i32, %arg1: memref<1000x128xf32, #tpu.memory_space<vmem>>, %arg2: memref<1000x128xf32, #tpu.memory_space<vmem>>, %arg3: memref<1000x128xf32, #tpu.memory_space<vmem>>, %arg4: memref<384x128xf32, #tpu.memory_space<vmem>>, %arg5: memref<384x128xf32, #tpu.memory_space<vmem>>, %arg6: memref<1x384xf32, #tpu.memory_space<vmem>>, %arg7: memref<1x384xf32, #tpu.memory_space<vmem>>, %arg8: memref<16x128xf32, #tpu.memory_space<vmem>>, %arg9: memref<1x16xf32, #tpu.memory_space<vmem>>, %arg10: memref<1000x16xf32, #tpu.memory_space<vmem>>) attributes {dimension_semantics = [#tpu.dimension_semantics<arbitrary>], iteration_bounds = array<i64: 10>, scalar_prefetch = 0 : i64, scratch_operands = 0 : i64, tpu.core_type = #tpu.core_type<tc>, window_params = [{transform_indices = @transform_0, window_bounds = array<i64: 1000, 128>}, {transform_indices = @transform_1, window_bounds = array<i64: 1000, 128>}, {transform_indices = @transform_2, window_bounds = array<i64: 1000, 128>}, {pipeline_mode = #tpu.pipeline_mode<synchronous>, transform_indices = @transform_3, window_bounds = array<i64: 384, 128>}, {pipeline_mode = #tpu.pipeline_mode<synchronous>, transform_indices = @transform_4, window_bounds = array<i64: 384, 128>}, {pipeline_mode = #tpu.pipeline_mode<synchronous>, transform_indices = @transform_5, window_bounds = array<i64: 1, 384>}, {pipeline_mode = #tpu.pipeline_mode<synchronous>, transform_indices = @transform_6, window_bounds = array<i64: 1, 384>}, {pipeline_mode = #tpu.pipeline_mode<synchronous>, transform_indices = @transform_7, window_bounds = array<i64: 16, 128>}, {pipeline_mode = #tpu.pipeline_mode<synchronous>, transform_indices = @transform_8, window_bounds = array<i64: 1, 16>}, {transform_indices = @transform_9, window_bounds = array<i64: 1000, 16>}]} {
    %get3A = arith.constant 0 : index
    %get3A_0 = arith.constant 0 : index
    %get3A_1 = vector.load %arg1[%get3A, %get3A_0] : memref<1000x128xf32, #tpu.memory_space<vmem>>, vector<1000x128xf32>
    %get3A_2 = arith.constant 0 : index
    %get3A_3 = arith.constant 0 : index
    %get3A_4 = vector.load %arg2[%get3A_2, %get3A_3] : memref<1000x128xf32, #tpu.memory_space<vmem>>, vector<1000x128xf32>
    %add3A = arith.addf %get3A_1, %get3A_4 : vector<1000x128xf32>
    %get3A_5 = arith.constant 0 : index
    %get3A_6 = arith.constant 0 : index
    %get3A_7 = vector.load %arg3[%get3A_5, %get3A_6] : memref<1000x128xf32, #tpu.memory_space<vmem>>, vector<1000x128xf32>
    %get3A_8 = arith.constant 0 : index
    %get3A_9 = arith.constant 0 : index
    %get3A_10 = vector.load %arg4[%get3A_8, %get3A_9] : memref<384x128xf32, #tpu.memory_space<vmem>>, vector<384x128xf32>
    %dot_general3A = arith.constant dense<0.000000e+00> : vector<1000x384xf32>
    %dot_general3A_11 = tpu.matmul %add3A, %get3A_10, %dot_general3A {dimension_numbers = #tpu.dot_dimension_numbers<[1], [1], [0], [0], [0, 0, 1, 0], [], []>, transpose_lhs_hint = false} : vector<1000x128xf32>, vector<384x128xf32>, vector<1000x384xf32> -> vector<1000x384xf32>
    %get3A_12 = arith.constant 0 : index
    %get3A_13 = arith.constant 0 : index
    %get3A_14 = vector.load %arg6[%get3A_12, %get3A_13] : memref<1x384xf32, #tpu.memory_space<vmem>>, vector<1x384xf32>
    %add3A_15 = vector.broadcast %get3A_14 : vector<1x384xf32> to vector<1000x384xf32>
    %add3A_16 = arith.addf %dot_general3A_11, %add3A_15 : vector<1000x384xf32>
    %get3A_17 = arith.constant 0 : index
    %get3A_18 = arith.constant 0 : index
    %get3A_19 = vector.load %arg5[%get3A_17, %get3A_18] : memref<384x128xf32, #tpu.memory_space<vmem>>, vector<384x128xf32>
    %dot_general3A_20 = arith.constant dense<0.000000e+00> : vector<1000x384xf32>
    %dot_general3A_21 = tpu.matmul %get3A_7, %get3A_19, %dot_general3A_20 {dimension_numbers = #tpu.dot_dimension_numbers<[1], [1], [0], [0], [0, 0, 1, 0], [], []>, transpose_lhs_hint = false} : vector<1000x128xf32>, vector<384x128xf32>, vector<1000x384xf32> -> vector<1000x384xf32>
    %get3A_22 = arith.constant 0 : index
    %get3A_23 = arith.constant 0 : index
    %get3A_24 = vector.load %arg7[%get3A_22, %get3A_23] : memref<1x384xf32, #tpu.memory_space<vmem>>, vector<1x384xf32>
    %add3A_25 = vector.broadcast %get3A_24 : vector<1x384xf32> to vector<1000x384xf32>
    %add3A_26 = arith.addf %dot_general3A_21, %add3A_25 : vector<1000x384xf32>
    %slice3A = vector.extract_strided_slice %add3A_16 {offsets = [0, 0], sizes = [1000, 128], strides = [1, 1]} : vector<1000x384xf32> to vector<1000x128xf32>
    %slice3A_27 = vector.extract_strided_slice %add3A_26 {offsets = [0, 0], sizes = [1000, 128], strides = [1, 1]} : vector<1000x384xf32> to vector<1000x128xf32>
    %add3A_28 = arith.addf %slice3A, %slice3A_27 : vector<1000x128xf32>
    %logistic3A = arith.negf %add3A_28 : vector<1000x128xf32>
    %logistic3A_29 = math.exp %logistic3A : vector<1000x128xf32>
    %logistic3A_30 = arith.constant 1.000000e+00 : f32
    %logistic3A_31 = vector.broadcast %logistic3A_30 : f32 to vector<1000x128xf32>
    %logistic3A_32 = arith.addf %logistic3A_31, %logistic3A_29 : vector<1000x128xf32>
    %logistic3A_33 = arith.divf %logistic3A_31, %logistic3A_32 : vector<1000x128xf32>
    %slice3A_34 = vector.extract_strided_slice %add3A_16 {offsets = [0, 128], sizes = [1000, 128], strides = [1, 1]} : vector<1000x384xf32> to vector<1000x128xf32>
    %slice3A_35 = vector.extract_strided_slice %add3A_26 {offsets = [0, 128], sizes = [1000, 128], strides = [1, 1]} : vector<1000x384xf32> to vector<1000x128xf32>
    %add3A_36 = arith.addf %slice3A_34, %slice3A_35 : vector<1000x128xf32>
    %logistic3A_37 = arith.negf %add3A_36 : vector<1000x128xf32>
    %logistic3A_38 = math.exp %logistic3A_37 : vector<1000x128xf32>
    %logistic3A_39 = arith.constant 1.000000e+00 : f32
    %logistic3A_40 = vector.broadcast %logistic3A_39 : f32 to vector<1000x128xf32>
    %logistic3A_41 = arith.addf %logistic3A_40, %logistic3A_38 : vector<1000x128xf32>
    %logistic3A_42 = arith.divf %logistic3A_40, %logistic3A_41 : vector<1000x128xf32>
    %slice3A_43 = vector.extract_strided_slice %add3A_16 {offsets = [0, 256], sizes = [1000, 128], strides = [1, 1]} : vector<1000x384xf32> to vector<1000x128xf32>
    %slice3A_44 = vector.extract_strided_slice %add3A_26 {offsets = [0, 256], sizes = [1000, 128], strides = [1, 1]} : vector<1000x384xf32> to vector<1000x128xf32>
    %mul3A = arith.mulf %logistic3A_33, %slice3A_44 : vector<1000x128xf32>
    %add3A_45 = arith.addf %slice3A_43, %mul3A : vector<1000x128xf32>
    %tanh3A = math.tanh %add3A_45 : vector<1000x128xf32>
    %sub3A = arith.constant 1.000000e+00 : f32
    %sub3A_46 = vector.broadcast %sub3A : f32 to vector<1000x128xf32>
    %sub3A_47 = arith.subf %sub3A_46, %logistic3A_42 : vector<1000x128xf32>
    %mul3A_48 = arith.mulf %sub3A_47, %tanh3A : vector<1000x128xf32>
    %mul3A_49 = arith.mulf %logistic3A_42, %get3A_7 : vector<1000x128xf32>
    %add3A_50 = arith.addf %mul3A_48, %mul3A_49 : vector<1000x128xf32>
    %get3A_51 = arith.constant 0 : index
    %get3A_52 = arith.constant 0 : index
    %get3A_53 = vector.load %arg8[%get3A_51, %get3A_52] : memref<16x128xf32, #tpu.memory_space<vmem>>, vector<16x128xf32>
    %dot_general3A_54 = arith.constant dense<0.000000e+00> : vector<1000x16xf32>
    %dot_general3A_55 = tpu.matmul %add3A_50, %get3A_53, %dot_general3A_54 {dimension_numbers = #tpu.dot_dimension_numbers<[1], [1], [0], [0], [0, 0, 1, 0], [], []>, transpose_lhs_hint = false} : vector<1000x128xf32>, vector<16x128xf32>, vector<1000x16xf32> -> vector<1000x16xf32>
    %get3A_56 = arith.constant 0 : index
    %get3A_57 = arith.constant 0 : index
    %get3A_58 = vector.load %arg9[%get3A_56, %get3A_57] : memref<1x16xf32, #tpu.memory_space<vmem>>, vector<1x16xf32>
    %add3A_59 = vector.broadcast %get3A_58 : vector<1x16xf32> to vector<1000x16xf32>
    %add3A_60 = arith.addf %dot_general3A_55, %add3A_59 : vector<1000x16xf32>
    %reduce_max3A = arith.constant dense<0xFF800000> : vector<1000xf32>
    %reduce_max3A_61 = vector.multi_reduction <maximumf>, %add3A_60, %reduce_max3A [1] : vector<1000x16xf32> to vector<1000xf32>
    %broadcast_in_dim3A = vector.shape_cast %reduce_max3A_61 : vector<1000xf32> to vector<1000x1xf32>
    %sub3A_62 = vector.broadcast %broadcast_in_dim3A : vector<1000x1xf32> to vector<1000x16xf32>
    %sub3A_63 = arith.subf %add3A_60, %sub3A_62 : vector<1000x16xf32>
    %exp3A = math.exp %sub3A_63 : vector<1000x16xf32>
    %reduce_sum3A = arith.constant dense<0.000000e+00> : vector<1000xf32>
    %reduce_sum3A_64 = vector.multi_reduction <add>, %exp3A, %reduce_sum3A [1] : vector<1000x16xf32> to vector<1000xf32>
    %broadcast_in_dim3A_65 = vector.shape_cast %reduce_sum3A_64 : vector<1000xf32> to vector<1000x1xf32>
    %log3A = math.log %broadcast_in_dim3A_65 : vector<1000x1xf32>
    %sub3A_66 = vector.broadcast %log3A : vector<1000x1xf32> to vector<1000x16xf32>
    %sub3A_67 = arith.subf %sub3A_63, %sub3A_66 : vector<1000x16xf32>
    %swap3A = arith.constant 0 : index
    %swap3A_68 = arith.constant 0 : index
    %swap3A_69 = vector.load %arg10[%swap3A, %swap3A_68] : memref<1000x16xf32, #tpu.memory_space<vmem>>, vector<1000x16xf32>
    tpu.vector_store %arg10[%swap3A, %swap3A_68], %sub3A_67 {strides = array<i32>} : memref<1000x16xf32, #tpu.memory_space<vmem>>, vector<1000x16xf32>,
    return
  }
  func.func @transform_0(%arg0: i32) -> (i32, i32) {
    %c0_i32 = arith.constant 0 : i32
    %c0_i32_0 = arith.constant 0 : i32
    return %arg0, %c0_i32 : i32, i32
  }
  func.func @transform_1(%arg0: i32) -> (i32, i32) {
    %c0_i32 = arith.constant 0 : i32
    %c0_i32_0 = arith.constant 0 : i32
    return %arg0, %c0_i32 : i32, i32
  }
  func.func @transform_2(%arg0: i32) -> (i32, i32) {
    %c0_i32 = arith.constant 0 : i32
    %c0_i32_0 = arith.constant 0 : i32
    return %arg0, %c0_i32 : i32, i32
  }
  func.func @transform_3(%arg0: i32) -> (i32, i32) {
    %c0_i32 = arith.constant 0 : i32
    %c0_i32_0 = arith.constant 0 : i32
    %c0_i32_1 = arith.constant 0 : i32
    return %c0_i32, %c0_i32_0 : i32, i32
  }
  func.func @transform_4(%arg0: i32) -> (i32, i32) {
    %c0_i32 = arith.constant 0 : i32
    %c0_i32_0 = arith.constant 0 : i32
    %c0_i32_1 = arith.constant 0 : i32
    return %c0_i32, %c0_i32_0 : i32, i32
  }
  func.func @transform_5(%arg0: i32) -> (i32, i32) {
    %c0_i32 = arith.constant 0 : i32
    %c0_i32_0 = arith.constant 0 : i32
    %c0_i32_1 = arith.constant 0 : i32
    return %c0_i32, %c0_i32_0 : i32, i32
  }
  func.func @transform_6(%arg0: i32) -> (i32, i32) {
    %c0_i32 = arith.constant 0 : i32
    %c0_i32_0 = arith.constant 0 : i32
    %c0_i32_1 = arith.constant 0 : i32
    return %c0_i32, %c0_i32_0 : i32, i32
  }
  func.func @transform_7(%arg0: i32) -> (i32, i32) {
    %c0_i32 = arith.constant 0 : i32
    %c0_i32_0 = arith.constant 0 : i32
    %c0_i32_1 = arith.constant 0 : i32
    return %c0_i32, %c0_i32_0 : i32, i32
  }
  func.func @transform_8(%arg0: i32) -> (i32, i32) {
    %c0_i32 = arith.constant 0 : i32
    %c0_i32_0 = arith.constant 0 : i32
    %c0_i32_1 = arith.constant 0 : i32
    return %c0_i32, %c0_i32_0 : i32, i32
  }
  func.func @transform_9(%arg0: i32) -> (i32, i32) {
    %c0_i32 = arith.constant 0 : i32
    %c0_i32_0 = arith.constant 0 : i32
    return %arg0, %c0_i32 : i32, i32
  }
}

</mosaic_0001>

<sc_bundles>
// kernel: kernel.10.cloned.1.call-start
scs
__scs_entry_jumppad:
0x0: {  	(pc) =	sbr.rel $0x88, $3  }
0x1: {  	(tag) =	ssettag $0x0;
	lr =	simm.s32 $0x1  }
0x2: {  	[smem:$0x3F98] =	sst lr;
	_ =	strace $0xD0000000  }
0x3: {  	_ = 	snop  }
0x4: {  	_ = 	snop  }
0x5: {  	_ = 	snop  }
0x6: {  	_ = 	snop  }
0x7: {  	_ = 	snop  }
__scs_overlays_trampoline_lowered:
0x8: {  	[smem:$0x3FA7] =	sst s0  }
0x9: {  	[smem:$0x3FA8] =	sst s1  }
0xa: {  	[smem:$0x3FA9] =	sst s2  }
0xb: {  	[smem:$0x3FAA] =	sst s3  }
0xc: {  	[smem:$0x3FAB] =	sst s4  }
0xd: {  	[smem:$0x3FAC] =	sst s5  }
0xe: {  	[smem:$0x3FAD] =	sst s6  }
0xf: {  	[smem:$0x3FAE] =	sst s7  }
0x10: {  	[smem:$0x3FAF] =	sst s8  }
0x11: {  	[smem:$0x3FB0] =	sst s9;
	s0 =	simm.s32 @!p0 $0x0  }
0x12: {  	s1 =	sld [smem:$0x3F96];
	s0 =	simm.s32 @p0 $0x1  }
0x13: {  	[smem:$0x3FB1] =	sst s0;
	s0 =	simm.s32 @!p1 $0x0  }
0x14: {  	s2 =	sld [smem:$0x3F95];
	s0 =	simm.s32 @p1 $0x1  }
0x15: {  	[smem:$0x3FB2] =	sst s0;
	s0 =	simm.s32 @!p2 $0x0  }
0x16: {  	s3 =	sld [smem:$0x3FDB];
	s0 =	simm.s32 @p2 $0x1  }
0x17: {  	s4 =	simm.s32 $0x1BF5;
	[smem:$0x3FB4] =	sst s0  }
0x18: {  	s0 =	sld [smem:$0x3F97];
	_ =	swait.ge [sflag:s4], $0x0  }
0x19: {  	s7 =	sld [smem:$0x3F98]  }
0x1a: {  	s8 =	sadd.s32 $0xFFFFE003, lr  }
0x1b: {  	s9 =	sadd.s32 $0xFFFFFEF7, lr;
	s5 =	simm.s32 $0xFFFFFFFF;
	p2 =	slt.u32 s8, $0xFFFFF086  }
0x1c: {  	p1 =	slt.u32 s9, $0xF7A;
	s5 =	simm.s32 @!p2 $0x0  }
0x1d: {  	s5 =	simm.s32 @p1 $0x1;
	p0 =	seq.s32 s7, s2  }
0x1e: {  	s7 =	smul.u32 @!p0 $0xF7A, s2;
	p2 =	seq.s32 @!p0 s5, $0x0  }
0x1f: {  	s9 =	smul.u32 $0xF7A, s1;
	s8 =	simm.s32 @!p0 $0x1BF5;
	p2 =	por !p2, p0  }
0x20: {  	[sflag:s8] =	ssyncset.s32 @!p0 $0xFFFFF086;
	s6 =	sadd.s32 @!p0 s3, s7;
	s7 =	simm.s32 @!p0 $0x108  }
0x21: {  	s3 =	sadd.s32 s3, s9;
	s6 =	sadd.s32 @!p0 $0x88, s6;
	s7 =	simm.s32 @p2 $0x1082  }
0x22: {  	[simem:s7], [sflag:s8] =	dma.local @!p0 [hbm:s6], $0xF7A  }
0x23: {  	s9 =	sor.u32 $0xD0000000, s2;
	s6 =	simm.s32 $0x108;
	_ =	swait.ge @!p0 [sflag:s8], $0x0  }
0x24: {  	s3 =	sadd.s32 $0x88, s3;
	s6 =	simm.s32 @!p1 $0x1082;
	[sflag:s4] =	ssyncset.s32 $0xFFFFF086  }
0x25: {  	[simem:s6], [sflag:s4] =	dma.local [hbm:s3], $0xF7A  }
0x26: {  	[smem:$0x3F98] =	sst s1;
	(tag) =	ssettag s2;
	_ =	strace s9  }
0x27: {  	s1 =	sld [smem:$0x3FA8]  }
0x28: {  	s2 =	sld [smem:$0x3FA9]  }
0x29: {  	s4 =	sld [smem:$0x3FAB]  }
0x2a: {  	p0 =	seq.s32 s5, $0x0;
	s5 =	sld [smem:$0x3FAC]  }
0x2b: {  	s6 =	sld [smem:$0x3FAD]  }
0x2c: {  	s7 =	sld [smem:$0x3FAE]  }
0x2d: {  	s3 =	simm.s32 $0x108;
	s8 =	sld [smem:$0x3FAF]  }
0x2e: {  	s3 =	simm.s32 @!p0 $0x1082;
	s9 =	sld [smem:$0x3FB0]  }
0x2f: {  	lr =	sadd.s32 s0, s3;
	s0 =	sld [smem:$0x3FA7]  }
0x30: {  	s3 =	sld [smem:$0x3FAA]  }
0x31: {  	[smem:$0x3FB3] =	sst s10  }
0x32: {  	s10 =	sld [smem:$0x3FB1];
	_ =	sdelay $0x3  }
0x33: {  	p0 =	seq.s32 s10, $0x1;
	s10 =	sld [smem:$0x3FB3];
	_ =	sdelay $0x3  }
0x34: {  	[smem:$0x3FB3] =	sst s10  }
0x35: {  	s10 =	sld [smem:$0x3FB2];
	_ =	sdelay $0x3  }
0x36: {  	p1 =	seq.s32 s10, $0x1;
	s10 =	sld [smem:$0x3FB3];
	_ =	sdelay $0x3  }
0x37: {  	[smem:$0x3FB3] =	sst s10  }
0x38: {  	s10 =	sld [smem:$0x3FB4]  }
0x39: {  	_ = 	snop;
	(pc) =	sbr.ind lr, $3  }
0x3a: {  	_ = 	snop  }
0x3b: {  	_ = 	snop  }
0x3c: {  	p2 =	seq.s32 s10, $0x1;
	s10 =	sld [smem:$0x3FB3]  }
0x3d: {  	_ =	shalt  }
0x3e: {  	_ =	shalt  }
0x3f: {  	_ =	shalt  }
0x40: {  	_ =	shalt  }
0x41: {  	_ =	shalt  }
0x42: {  	_ =	shalt  }
0x43: {  	_ =	shalt  }
0x44: {  	_ =	shalt  }
0x45: {  	_ =	shalt  }
0x46: {  	_ =	shalt  }
0x47: {  	_ =	shalt  }
0x48: {  	_ =	shalt  }
0x49: {  	_ =	shalt  }
0x4a: {  	_ =	shalt  }
0x4b: {  	_ =	shalt  }
0x4c: {  	_ =	shalt  }
0x4d: {  	_ =	shalt  }
0x4e: {  	_ =	shalt  }
0x4f: {  	_ =	shalt  }
0x50: {  	_ =	shalt  }
0x51: {  	_ =	shalt  }
0x52: {  	_ =	shalt  }
0x53: {  	_ =	shalt  }
0x54: {  	_ =	shalt  }
0x55: {  	_ =	shalt  }
0x56: {  	_ =	shalt  }
0x57: {  	_ =	shalt  }
0x58: {  	_ =	shalt  }
0x59: {  	_ =	shalt  }
0x5a: {  	_ =	shalt  }
0x5b: {  	_ =	shalt  }
0x5c: {  	_ =	shalt  }
0x5d: {  	_ =	shalt  }
0x5e: {  	_ =	shalt  }
0x5f: {  	_ =	shalt  }
0x60: {  	_ =	shalt  }
0x61: {  	_ =	shalt  }
0x62: {  	_ =	shalt  }
0x63: {  	_ =	shalt  }
0x64: {  	_ =	shalt  }
0x65: {  	_ =	shalt  }
0x66: {  	_ =	shalt  }
0x67: {  	_ =	shalt  }
0x68: {  	_ =	shalt  }
0x69: {  	_ =	shalt  }
0x6a: {  	_ =	shalt  }
0x6b: {  	_ =	shalt  }
0x6c: {  	_ =	shalt  }
0x6d: {  	_ =	shalt  }
0x6e: {  	_ =	shalt  }
0x6f: {  	_ =	shalt  }
0x70: {  	_ =	shalt  }
0x71: {  	_ =	shalt  }
0x72: {  	_ =	shalt  }
0x73: {  	_ =	shalt  }
0x74: {  	_ =	shalt  }
0x75: {  	_ =	shalt  }
0x76: {  	_ =	shalt  }
0x77: {  	_ =	shalt  }
0x78: {  	_ =	shalt  }
0x79: {  	_ =	shalt  }
0x7a: {  	_ =	shalt  }
0x7b: {  	_ =	shalt  }
0x7c: {  	_ =	shalt  }
0x7d: {  	_ =	shalt  }
0x7e: {  	_ =	shalt  }
0x7f: {  	_ =	shalt  }
0x80: {  	_ =	shalt  }
0x81: {  	_ =	shalt  }
0x82: {  	_ =	shalt  }
0x83: {  	_ =	shalt  }
0x84: {  	_ =	shalt  }
0x85: {  	_ =	shalt  }
0x86: {  	_ =	shalt  }
0x87: {  	_ =	shalt  }
.Lfunc_end0:
.L_simem_size_0:
called_computation_lowered:
.L_overlay_start_0:
0x88: {  	s2 =	sld [smem:$0x3FD9]  }
0x89: {  	s3 =	sld [smem:$0x3FFE];
	_ =	sdelay $0x1  }
0x8a: {  	s1 =	srdreg.scid  }
0x8b: {  	s0 =	sand.u32 $0x1, s1  }
0x8c: {  	s17 =	sshll.u32 s0, $0xA;
	s2 =	sadd.s32 s3, s2  }
0x8d: {  	s2 =	sadd.s32 s2, s17  }
0x8e: {  	[smem:$0x3FBF] =	sst s2  }
0x8f: {  	_ = 	snop  }
0x90: {  	s2 =	sld [smem:$0x3FD0];
	(tm) =	ssettm $0x1  }
0x91: {  	s18 =	sld [smem:$0x3FFB];
	_ =	sdelay $0x3  }
0x92: {  	_ =	strace s18  }
0x93: {  	s3 =	sld [smem:$0x3FFC];
	_ =	sdelay $0x3  }
0x94: {  	_ =	strace s3  }
0x95: {  	s3 =	sld [smem:$0x3FFD];
	_ =	sdelay $0x3  }
0x96: {  	_ =	strace s3  }
0x97: {  	_ =	strace $0x8FFFFFFF  }
0x98: {  	s19 =	sld [smem:$0x3FDB];
	_ =	sdelay $0x1  }
0x99: {  	s4 =	simm.s32 $_scs_section_size  }
0x9a: {  	s5 =	simm.s32 $_size__tile_overlayer_lowered;
	s6 =	simm.s32 $_tile_overlayer_lowered  }
0x9b: {  	s22 =	simm.s32 $0x1BFF;
	s21 =	sshll.u32 s6, $0x1;
	s3 =	sadd.s32 s4, s19  }
0x9c: {  	s7 =	simm.s32 $0x0;
	s20 =	sshll.u32 s5, $0x1;
	s5 =	sadd.s32 s21, s3  }
0x9d: {  	[timem:s7], [sflag:s22] =	dma.local [hbm:s5], s20  }
0x9e: {  	_ =	swait.ge [sflag:s22], s20  }
0x9f: {  	s4 =	ssub.s32 $0x0, s20;
	[sflag:s22] =	ssyncset.done $0x0  }
0xa0: {  	[sflag:s22] =	ssyncadd.s32 s4;
	_ =	sdelay $0x1  }
0xa1: {  	s23 =	simm.s32 $0x1B8B  }
0xa2: {  	_ =	swait.ge [sflag:s23], $0x1  }
0xa3: {  	[sflag:s23] =	ssyncset.done $0x0  }
0xa4: {  	s25 =	simm.s32 $0x1B8E;
	s24 =	sld [smem:$0x3FFE];
	[sflag:s23] =	ssyncadd.s32 $0xFFFFFFFF  }
0xa5: {  	s26 =	simm.s32 $execute0_lowered;
	[smem:$0x3FD2] =	sst s25  }
0xa6: {  	s5 =	sshll.u32 s26, $0x1;
	_ =	strace $0x80000046;
	[dreg:$0x1] =	wrdreg $0xFFFFFFFF  }
0xa7: {  	s28 =	simm.s32 $_size_execute0_lowered;
	s3 =	sadd.s32 s3, s5;
	[dreg:$0x0] =	wrdreg $0x0  }
0xa8: {  	s5 =	sshll.u32 s28, $0x1;
	[dreg:$0x2] =	wrdreg s3  }
0xa9: {  	[dreg:$0x3] =	wrdreg s5  }
0xaa: {  	[dreg:$0x4] =	wrdreg $0xC0  }
0xab: {  	_ =	task [dreg:s7], $0x5FFFF  }
0xac: {  	[dreg:$0x1] =	wrdreg $0xFFFFFFFF  }
0xad: {  	[dreg:$0x0] =	wrdreg $0x60  }
0xae: {  	[dreg:$0x2] =	wrdreg s24  }
0xaf: {  	[dreg:$0x3] =	wrdreg s2  }
0xb0: {  	[dreg:$0x4] =	wrdreg $0xC0000  }
0xb1: {  	[dreg:$0x5] =	wrdreg $0x9  }
0xb2: {  	_ =	task.clear_ibuf [dreg:s7], $0x6FFFF;
	_ =	strace $0x90000046  }
0xb3: {  	s29 =	simm.s32 $0x9;
	_ =	strace $0x80000048  }
0xb4: {  	_ =	swait.ge [sflag:s29], $0x1  }
0xb5: {  	[sflag:s29] =	ssyncadd.s32 $0xFFFFFFFF  }
0xb6: {  	_ =	strace $0x90000048  }
0xb7: {  	_ =	sfence  }
0xb8: {  	s30 =	sld [smem:$0x0];
	_ =	sdelay $0x2  }
0xb9: {  	s31 =	sshll.u32 s1, $0xD;
	s1 =	sshrl.u32 s1, $0x2  }
0xba: {  	s3 =	sand.u32 $0x4000, s31;
	s1 =	sadd.s32 s1, s30  }
0xbb: {  	s0 =	sor.u32 s3, s0;
	s1 =	sshll.u32 s1, $0x11  }
0xbc: {  	s0 =	sor.u32 s1, s0  }
0xbd: {  	s0 =	sadd.s32 $0x8F2B, s0  }
0xbe: {  	[sflag:s0] =	ssyncadd.remote.s32 $0x1  }
0xbf: {  	_ =	sfence.sel $0xFFFF  }
0xc0: {  	[dreg:$0x0] =	wrdreg $0xFFFFFFFF;
	(pc) =	sbr.abs _section_cstart, $3  }
0xc1: {  	[dreg:$0x1] =	wrdreg $0xFFFFFFFF  }
0xc2: {  	_ =	task.clear_ibuf [dreg:s7], $0x2FFFF;
	_ =	strace $0x9FFFFFFF  }
0xc3: {  	(tm) =	ssettm $0x7FFFFFFF  }
tec
execute0_lowered:
.L_overlay_start_1:
0x0: {  	(tag) =	ssettag $0x1  }
0x1: {  	s0 =	rddreg [dreg:$0x0]  }
0x2: {  	s3 =	rddreg [dreg:$0x2];
	s1 =	srdreg.scid  }
0x3: {  	s2 =	stileid.u32;
	s4 =	simm.s32 $0x0;
	s15 =	simm.s32 $0x30  }
0x4: {  	s16 =	simm.s32 $0x6000;
	s17 =	simm.s32 $0x7800;
	s18 =	simm.s32 $0x9000  }
0x5: {  	s19 =	simm.s32 $0xA800;
	s20 =	simm.s32 $0x1;
	s21 =	simm.s32 $0x2  }
0x6: {  	s22 =	simm.s32 $0x60;
	s28 =	simm.s32 $0x5C00;
	s29 =	simm.s32 $0x5C80  }
0x7: {  	s30 =	simm.s32 $0x0;
	s1 =	sand.u32 $0x1, s1;
	s5 =	sshll.u32 s2, $0x1  }
0x8: {  	s23 =	sshrl.u32 s2, $0x2;
	[smem:$0x7FF] =	sst s4;
	s25 =	smul.u32 $0x4F000, s2  }
0x9: {  	s26 =	sshll.u32 s2, $0x6;
	s31 =	smul.u32 $0x2780, s2;
	s6 =	sor.u32 s1, s5  }
0xa: {  	s7 =	smul.u32 $0x14000, s23;
	_ =	strace $0x80000047;
	s5 =	sadd.s32 $0x1C000, s0  }
0xb: {  	s9 =	ssub.s32 $0x2, s1;
	p0 =	seq.s32 s1, $0x1;
	s1 =	simm.s32 $0x6AA00  }
0xc: {  	s23 =	simm.s32 $0x3;
	s24 =	sshll.u32 s6, $0x7;
	s6 =	smul.u32 $0x700, s6  }
0xd: {  	s10 =	sshrl.u32 s9, $0x1;
	s1 =	simm.s32 @!p0 $0x43200;
	s8 =	sand.u32 $0x380, s24  }
0xe: {  	s9 =	ssub.s32 s9, s10;
	s24 =	simm.s32 $0x4;
	s7 =	sor.u32 s7, s8  }
0xf: {  	s8 =	sshrl.u32 s25, $0x2;
	s11 =	sadd.s32 s6, s0;
	s6 =	sor.u32 $0x1C05, s26  }
0x10: {  	s9 =	smax.u32 s9, $0x1;
	s25 =	simm.s32 $0x2760;
	s26 =	simm.s32 $0x2790  }
0x11: {  	s7 =	sshrl.u32 s7, $0x3;
	s12 =	sadd.s32 s8, s3;
	s8 =	sadd.s32 $0xE000, s11  }
0x12: {  	s7 =	sadd.s32 s7, s0;
	s0 =	sadd.s32 s1, s0;
	s11 =	sshrl.u32 s12, $0x3  }
0x13: {  	s12 =	simm.s32 $0x5;
	s7 =	sadd.s32 $0x4000, s7;
	s10 =	sadd.s32 s0, s31  }
.LBB2_1:
0x14: {  	s0 =	rddreg [dreg:$0x1]  }
0x15: {  	[spmem:s11], [sflag:s6] =	dma.local [hbm:s0], $0x2780  }
0x16: {  	_ =	swait.ge [sflag:s12], $0x2780  }
0x17: {  	[sflag:s12] =	ssyncset.done $0x0  }
0x18: {  	s14 =	simm.s32 $0x80;
	s1 =	simm.s32 $0x400;
	[sflag:s12] =	ssyncadd.s32 $0xFFFFD880  }
0x19: {  	[tilespmem:s4], [sflag:$0x5] =	stream.strided.gather [hbm4b:s7+s14], $0x2800, s1, s14, $0x38;
	[tilespmem:$0x1FC00] =	vst v63  }
0x1a: {  	_ =	swait.ge [sflag:s12], $0x2800  }
0x1b: {  	[sflag:s12] =	ssyncset.done $0x0  }
0x1c: {  	s2 =	simm.s32 $0x2800;
	[sflag:s12] =	ssyncadd.s32 $0xFFFFD800  }
0x1d: {  	[tilespmem:s2], [sflag:$0x5] =	stream.linear.gather [hbm4b:s8+s4], $0x3500, $0x38;
	[tilespmem:$0x1FC00] =	vst v63  }
0x1e: {  	_ =	swait.ge [sflag:s12], $0x3500  }
0x1f: {  	[sflag:s12] =	ssyncset.done $0x0  }
0x20: {  	[sflag:s12] =	ssyncadd.s32 $0xFFFFCB00  }
0x21: {  	[bflag:$0x0] =	sbarrier.arrive $0xFFFF  }
0x22: {  	[tilespmem:s16], [sflag:$0x1] =	stream.indirect.gather [hbm4b:s5+s15], $0x80, s4, s15, $0xb8;
	[tilespmem:$0x1FC00] =	vst v63  }
0x23: {  	_ = 	snop  }
0x24: {  	[tilespmem:s17], [sflag:$0x2] =	stream.indirect.gather [hbm4b:s5+s15], $0x80, s15, s15, $0xb8;
	[tilespmem:$0x1FC00] =	vst v63  }
0x25: {  	s13 =	simm.s32 $0x60  }
0x26: {  	[tilespmem:s18], [sflag:$0x3] =	stream.indirect.gather [hbm4b:s5+s15], $0x80, s13, s15, $0xb8;
	[tilespmem:$0x1FC00] =	vst v63  }
0x27: {  	s14 =	simm.s32 $0x90  }
0x28: {  	[tilespmem:s19], [sflag:$0x4] =	stream.indirect.gather [hbm4b:s5+s15], $0x80, s14, s15, $0xb8;
	[tilespmem:$0x1FC00] =	vst v63  }
0x29: {  	_ =	swait.ge [sflag:s20], $0x1800  }
0x2a: {  	[sflag:s20] =	ssyncset.done $0x0  }
0x2b: {  	[sflag:s20] =	ssyncadd.s32 $0xFFFFE800  }
0x2c: {  	_ =	swait.ge [sflag:s21], $0x1800  }
0x2d: {  	[sflag:s21] =	ssyncset.done $0x0  }
0x2e: {  	[sflag:s21] =	ssyncadd.s32 $0xFFFFE800  }
0x2f: {  	[spmem:s3] =	stream.indirect.scatter.add.f32 [tilespmem:s16], [sflag:$0x5], $0x80, s2, s22, $0xb8;
	[tilespmem:$0x1FC00] =	vst v63  }
0x30: {  	_ =	swait.ge [sflag:s12], $0x3000  }
0x31: {  	[sflag:s12] =	ssyncset.done $0x0  }
0x32: {  	s2 =	simm.s32 $0xC0;
	[sflag:s12] =	ssyncadd.s32 $0xFFFFD000  }
0x33: {  	[tilespmem:s16], [sflag:$0x1] =	stream.indirect.gather [hbm4b:s5+s15], $0x80, s2, s15, $0xb8;
	[tilespmem:$0x1FC00] =	vst v63  }
0x34: {  	s13 =	simm.s32 $0xF0  }
0x35: {  	[tilespmem:s17], [sflag:$0x2] =	stream.indirect.gather [hbm4b:s5+s15], $0x80, s13, s15, $0xb8;
	[tilespmem:$0x1FC00] =	vst v63  }
0x36: {  	_ =	swait.ge [sflag:s23], $0x1800  }
0x37: {  	[sflag:s23] =	ssyncset.done $0x0  }
0x38: {  	[sflag:s23] =	ssyncadd.s32 $0xFFFFE800  }
0x39: {  	_ =	swait.ge [sflag:s24], $0x1800  }
0x3a: {  	[sflag:s24] =	ssyncset.done $0x0  }
0x3b: {  	s14 =	simm.s32 $0x2880;
	[sflag:s24] =	ssyncadd.s32 $0xFFFFE800  }
0x3c: {  	[spmem:s3] =	stream.indirect.scatter.add.f32 [tilespmem:s18], [sflag:$0x5], $0x80, s14, s22, $0xb8;
	[tilespmem:$0x1FC00] =	vst v63  }
0x3d: {  	s31 =	simm.s32 $0x2900;
	_ =	swait.ge [sflag:s12], $0x3000  }
0x3e: {  	s0 =	simm.s32 $0xC0;
	s1 =	simm.s32 $0x600;
	[sflag:s12] =	ssyncset.done $0x0  }
.LBB2_2:
0x3f: {  	s2 =	sadd.s32 $0x60, s0  }
0x40: {  	[sflag:s12] =	ssyncadd.s32 $0xFFFFD000;
	s13 =	smov.u32 s1;
	s14 =	sadd.s32 $0x300, s1  }
0x41: {  	[tilespmem:s18], [sflag:$0x3] =	stream.indirect.gather [hbm4b:s5+s15], $0x80, s2, s15, $0xb8;
	[tilespmem:$0x1FC00] =	vst v63  }
0x42: {  	p0 =	sne.s32 s1, $0x9900;
	s1 =	sadd.s32 $0x90, s0  }
0x43: {  	[tilespmem:s19], [sflag:$0x4] =	stream.indirect.gather [hbm4b:s5+s15], $0x80, s1, s15, $0xb8;
	[tilespmem:$0x1FC00] =	vst v63  }
0x44: {  	_ =	swait.ge [sflag:s20], $0x1800  }
0x45: {  	[sflag:s20] =	ssyncset.done $0x0  }
0x46: {  	[sflag:s20] =	ssyncadd.s32 $0xFFFFE800  }
0x47: {  	_ =	swait.ge [sflag:s21], $0x1800  }
0x48: {  	[sflag:s21] =	ssyncset.done $0x0  }
0x49: {  	[sflag:s21] =	ssyncadd.s32 $0xFFFFE800  }
0x4a: {  	[spmem:s3] =	stream.indirect.scatter.add.f32 [tilespmem:s16], [sflag:$0x5], $0x80, s31, s22, $0xb8;
	[tilespmem:$0x1FC00] =	vst v63  }
0x4b: {  	_ =	swait.ge [sflag:s12], $0x3000  }
0x4c: {  	[sflag:s12] =	ssyncset.done $0x0  }
0x4d: {  	s1 =	sadd.s32 $0xC0, s0;
	[sflag:s12] =	ssyncadd.s32 $0xFFFFD000  }
0x4e: {  	[tilespmem:s16], [sflag:$0x1] =	stream.indirect.gather [hbm4b:s5+s15], $0x80, s1, s15, $0xb8;
	[tilespmem:$0x1FC00] =	vst v63  }
0x4f: {  	s0 =	sadd.s32 $0xF0, s0  }
0x50: {  	[tilespmem:s17], [sflag:$0x2] =	stream.indirect.gather [hbm4b:s5+s15], $0x80, s0, s15, $0xb8;
	[tilespmem:$0x1FC00] =	vst v63  }
0x51: {  	_ =	swait.ge [sflag:s23], $0x1800  }
0x52: {  	[sflag:s23] =	ssyncset.done $0x0  }
0x53: {  	[sflag:s23] =	ssyncadd.s32 $0xFFFFE800  }
0x54: {  	_ =	swait.ge [sflag:s24], $0x1800  }
.Ltmp0:
0x55: {  	[sflag:s24] =	ssyncset.done $0x0;
	(pc) =	sbr.rel @p0 .LBB2_2-.Ltmp0, $4  }
0x56: {  	s0 =	sadd.s32 $0x80, s31;
	[sflag:s24] =	ssyncadd.s32 $0xFFFFE800  }
0x57: {  	[spmem:s3] =	stream.indirect.scatter.add.f32 [tilespmem:s18], [sflag:$0x5], $0x80, s0, s22, $0xb8;
	[tilespmem:$0x1FC00] =	vst v63  }
0x58: {  	s1 =	smov.u32 s14;
	_ =	swait.ge [sflag:s12], $0x3000  }
0x59: {  	s31 =	sadd.s32 $0x100, s31;
	s0 =	sshra.s32 s13, $0x2;
	[sflag:s12] =	ssyncset.done $0x0  }
0x5a: {  	s1 =	sadd.s32 $0x60, s0;
	[sflag:s12] =	ssyncadd.s32 $0xFFFFD000  }
0x5b: {  	[tilespmem:s18], [sflag:$0x3] =	stream.indirect.gather [hbm4b:s5+s15], $0x80, s1, s15, $0xb8;
	[tilespmem:$0x1FC00] =	vst v63  }
0x5c: {  	s2 =	sadd.s32 $0x90, s0  }
0x5d: {  	[tilespmem:s19], [sflag:$0x4] =	stream.indirect.gather [hbm4b:s5+s15], $0x80, s2, s15, $0xb8;
	[tilespmem:$0x1FC00] =	vst v63  }
0x5e: {  	_ =	swait.ge [sflag:s20], $0x1800  }
0x5f: {  	[sflag:s20] =	ssyncset.done $0x0  }
0x60: {  	[sflag:s20] =	ssyncadd.s32 $0xFFFFE800  }
0x61: {  	_ =	swait.ge [sflag:s21], $0x1800  }
0x62: {  	[sflag:s21] =	ssyncset.done $0x0  }
0x63: {  	[sflag:s21] =	ssyncadd.s32 $0xFFFFE800  }
0x64: {  	[spmem:s3] =	stream.indirect.scatter.add.f32 [tilespmem:s16], [sflag:$0x5], $0x80, s31, s22, $0xb8;
	[tilespmem:$0x1FC00] =	vst v63  }
0x65: {  	_ =	swait.ge [sflag:s12], $0x3000  }
0x66: {  	[sflag:s12] =	ssyncset.done $0x0  }
0x67: {  	s13 =	sadd.s32 $0xC0, s0;
	[sflag:s12] =	ssyncadd.s32 $0xFFFFD000  }
0x68: {  	[tilespmem:s16], [sflag:$0x1] =	stream.indirect.gather [hbm4b:s5+s15], $0x80, s13, s15, $0xb8;
	[tilespmem:$0x1FC00] =	vst v63  }
0x69: {  	s14 =	sadd.s32 $0xF0, s0  }
0x6a: {  	[tilespmem:s17], [sflag:$0x2] =	stream.indirect.gather [hbm4b:s5+s15], $0x80, s14, s15, $0xb8;
	[tilespmem:$0x1FC00] =	vst v63  }
0x6b: {  	_ =	swait.ge [sflag:s23], $0x1800  }
0x6c: {  	[sflag:s23] =	ssyncset.done $0x0  }
0x6d: {  	[sflag:s23] =	ssyncadd.s32 $0xFFFFE800  }
0x6e: {  	_ =	swait.ge [sflag:s24], $0x1800  }
0x6f: {  	[sflag:s24] =	ssyncset.done $0x0  }
0x70: {  	s31 =	sadd.s32 $0x80, s31;
	[sflag:s24] =	ssyncadd.s32 $0xFFFFE800  }
0x71: {  	[spmem:s3] =	stream.indirect.scatter.add.f32 [tilespmem:s18], [sflag:$0x5], $0x80, s31, s22, $0xb8;
	[tilespmem:$0x1FC00] =	vst v63  }
0x72: {  	_ =	swait.ge [sflag:s12], $0x3000  }
0x73: {  	[sflag:s12] =	ssyncset.done $0x0  }
0x74: {  	[sflag:s12] =	ssyncadd.s32 $0xFFFFD000  }
0x75: {  	[tilespmem:s18], [sflag:$0x3] =	stream.indirect.gather [hbm4b:s5+s15], $0x80, s25, s15, $0xb8;
	[tilespmem:$0x1FC00] =	vst v63  }
0x76: {  	_ = 	snop  }
0x77: {  	[tilespmem:s19], [sflag:$0x4] =	stream.indirect.gather [hbm4b:s5+s15], $0x80, s26, s15, $0xb8;
	[tilespmem:$0x1FC00] =	vst v63  }
0x78: {  	_ =	swait.ge [sflag:s20], $0x1800  }
0x79: {  	[sflag:s20] =	ssyncset.done $0x0  }
0x7a: {  	[sflag:s20] =	ssyncadd.s32 $0xFFFFE800  }
0x7b: {  	_ =	swait.ge [sflag:s21], $0x1800  }
0x7c: {  	[sflag:s21] =	ssyncset.done $0x0  }
0x7d: {  	[sflag:s21] =	ssyncadd.s32 $0xFFFFE800  }
0x7e: {  	[spmem:s3] =	stream.indirect.scatter.add.f32 [tilespmem:s16], [sflag:$0x5], $0x80, s28, s22, $0xb8;
	[tilespmem:$0x1FC00] =	vst v63  }
0x7f: {  	_ =	swait.ge [sflag:s12], $0x3000  }
0x80: {  	[sflag:s12] =	ssyncset.done $0x0  }
0x81: {  	[sflag:s12] =	ssyncadd.s32 $0xFFFFD000  }
0x82: {  	_ =	swait.ge [sflag:s23], $0x1800  }
0x83: {  	[sflag:s23] =	ssyncset.done $0x0  }
0x84: {  	[sflag:s23] =	ssyncadd.s32 $0xFFFFE800  }
0x85: {  	_ =	swait.ge [sflag:s24], $0x1800  }
0x86: {  	[sflag:s24] =	ssyncset.done $0x0  }
0x87: {  	[sflag:s24] =	ssyncadd.s32 $0xFFFFE800  }
0x88: {  	[spmem:s3] =	stream.indirect.scatter.add.f32 [tilespmem:s18], [sflag:$0x5], $0x80, s29, s22, $0xb8;
	[tilespmem:$0x1FC00] =	vst v63  }
0x89: {  	_ =	swait.ge [sflag:s12], $0x3000  }
0x8a: {  	s30 =	sadd.s32 $0x1, s30;
	[sflag:s12] =	ssyncset.done $0x0  }
0x8b: {  	p0 =	sne.s32 s30, s9;
	[sflag:s12] =	ssyncadd.s32 $0xFFFFD000  }
.Ltmp1:
0x8c: {  	[bflag:$0x0] =	sbarrier.arrive $0xFFFF;
	(pc) =	sbr.rel @p0 .LBB2_1-.Ltmp1, $4  }
0x8d: {  	[hbm:s10], [sflag:s6] =	dma.local [spmem:s11], $0x2780  }
0x8e: {  	_ =	swait.ge [sflag:s12], $0x2780  }
0x8f: {  	[sflag:s12] =	ssyncset.done $0x0  }
0x90: {  	[sflag:s12] =	ssyncadd.s32 $0xFFFFD880  }
0x91: {  	_ =	sfence.sel $0x180000  }
0x92: {  	[bflag:$0x0] =	sbarrier.arrive $0xFFFF  }
0x93: {  	_ =	strace $0x90000047  }
0x94: {  	s0 =	stileid.u32;
	[bflag:$0x2] =	sbarrier.arrive $0xFFFF  }
0x95: {  	p0 =	sne.s32 s0, $0x0;
	s0 =	rddreg [dreg:$0x3]  }
0x96: {  	s0 =	sadd.s32 @!p0 $0x100000, s0  }
0x97: {  	[sflag:s0] =	ssyncadd.tile.s32 @!p0 $0x1;
	_ =	shalt  }
.Lfunc_end2:
_tile_overlayer_lowered:
.L_overlay_start_2:
0x98: {  	(tag) =	ssettag $0x2  }
0x99: {  	s0 =	rddreg [dreg:$0x0];
	s2 =	stileid.u32  }
0x9a: {  	s1 =	rddreg [dreg:$0x1];
	p0 =	sne.s32 s2, $0x0  }
0x9b: {  	s3 =	rddreg [dreg:$0x2];
	[bflag:$0x3] =	sbarrier.arrive $0xFFFF;
	s2 =	simm.s32 @!p0 $0x1C05  }
0x9c: {  	[timem:s3], [sflag:s2] =	dma.local @!p0 [hbm:s0], s1  }
0x9d: {  	s0 =	simm.s32 @!p0 $0x5  }
0x9e: {  	_ =	swait.ge @!p0 [sflag:s0], s1  }
0x9f: {  	s1 =	ssub.s32 @!p0 $0x0, s1;
	[sflag:s0] =	ssyncset.done @!p0 $0x0  }
0xa0: {  	[sflag:s0] =	ssyncadd.s32 @!p0 s1  }
0xa1: {  	[bflag:$0x3] =	sbarrier.arrive $0xFFFF  }
0xa2: {  	_ =	shalt  }

// kernel: kernel.13.cloned.1.call-start
scs
__scs_entry_jumppad:
0x0: {  	(pc) =	sbr.rel $0x88, $3  }
0x1: {  	(tag) =	ssettag $0x0;
	lr =	simm.s32 $0x1  }
0x2: {  	[smem:$0x3F98] =	sst lr;
	_ =	strace $0xD0000000  }
0x3: {  	_ = 	snop  }
0x4: {  	_ = 	snop  }
0x5: {  	_ = 	snop  }
0x6: {  	_ = 	snop  }
0x7: {  	_ = 	snop  }
__scs_overlays_trampoline_lowered:
0x8: {  	[smem:$0x3FA7] =	sst s0  }
0x9: {  	[smem:$0x3FA8] =	sst s1  }
0xa: {  	[smem:$0x3FA9] =	sst s2  }
0xb: {  	[smem:$0x3FAA] =	sst s3  }
0xc: {  	[smem:$0x3FAB] =	sst s4  }
0xd: {  	[smem:$0x3FAC] =	sst s5  }
0xe: {  	[smem:$0x3FAD] =	sst s6  }
0xf: {  	[smem:$0x3FAE] =	sst s7  }
0x10: {  	[smem:$0x3FAF] =	sst s8  }
0x11: {  	[smem:$0x3FB0] =	sst s9;
	s0 =	simm.s32 @!p0 $0x0  }
0x12: {  	s1 =	sld [smem:$0x3F96];
	s0 =	simm.s32 @p0 $0x1  }
0x13: {  	[smem:$0x3FB1] =	sst s0;
	s0 =	simm.s32 @!p1 $0x0  }
0x14: {  	s2 =	sld [smem:$0x3F95];
	s0 =	simm.s32 @p1 $0x1  }
0x15: {  	[smem:$0x3FB2] =	sst s0;
	s0 =	simm.s32 @!p2 $0x0  }
0x16: {  	s3 =	sld [smem:$0x3FDB];
	s0 =	simm.s32 @p2 $0x1  }
0x17: {  	s4 =	simm.s32 $0x1BF5;
	[smem:$0x3FB4] =	sst s0  }
0x18: {  	s0 =	sld [smem:$0x3F97];
	_ =	swait.ge [sflag:s4], $0x0  }
0x19: {  	s7 =	sld [smem:$0x3F98]  }
0x1a: {  	s8 =	sadd.s32 $0xFFFFE003, lr  }
0x1b: {  	s9 =	sadd.s32 $0xFFFFFEF7, lr;
	s5 =	simm.s32 $0xFFFFFFFF;
	p2 =	slt.u32 s8, $0xFFFFF086  }
0x1c: {  	p1 =	slt.u32 s9, $0xF7A;
	s5 =	simm.s32 @!p2 $0x0  }
0x1d: {  	s5 =	simm.s32 @p1 $0x1;
	p0 =	seq.s32 s7, s2  }
0x1e: {  	s7 =	smul.u32 @!p0 $0xF7A, s2;
	p2 =	seq.s32 @!p0 s5, $0x0  }
0x1f: {  	s9 =	smul.u32 $0xF7A, s1;
	s8 =	simm.s32 @!p0 $0x1BF5;
	p2 =	por !p2, p0  }
0x20: {  	[sflag:s8] =	ssyncset.s32 @!p0 $0xFFFFF086;
	s6 =	sadd.s32 @!p0 s3, s7;
	s7 =	simm.s32 @!p0 $0x108  }
0x21: {  	s3 =	sadd.s32 s3, s9;
	s6 =	sadd.s32 @!p0 $0x88, s6;
	s7 =	simm.s32 @p2 $0x1082  }
0x22: {  	[simem:s7], [sflag:s8] =	dma.local @!p0 [hbm:s6], $0xF7A  }
0x23: {  	s9 =	sor.u32 $0xD0000000, s2;
	s6 =	simm.s32 $0x108;
	_ =	swait.ge @!p0 [sflag:s8], $0x0  }
0x24: {  	s3 =	sadd.s32 $0x88, s3;
	s6 =	simm.s32 @!p1 $0x1082;
	[sflag:s4] =	ssyncset.s32 $0xFFFFF086  }
0x25: {  	[simem:s6], [sflag:s4] =	dma.local [hbm:s3], $0xF7A  }
0x26: {  	[smem:$0x3F98] =	sst s1;
	(tag) =	ssettag s2;
	_ =	strace s9  }
0x27: {  	s1 =	sld [smem:$0x3FA8]  }
0x28: {  	s2 =	sld [smem:$0x3FA9]  }
0x29: {  	s4 =	sld [smem:$0x3FAB]  }
0x2a: {  	p0 =	seq.s32 s5, $0x0;
	s5 =	sld [smem:$0x3FAC]  }
0x2b: {  	s6 =	sld [smem:$0x3FAD]  }
0x2c: {  	s7 =	sld [smem:$0x3FAE]  }
0x2d: {  	s3 =	simm.s32 $0x108;
	s8 =	sld [smem:$0x3FAF]  }
0x2e: {  	s3 =	simm.s32 @!p0 $0x1082;
	s9 =	sld [smem:$0x3FB0]  }
0x2f: {  	lr =	sadd.s32 s0, s3;
	s0 =	sld [smem:$0x3FA7]  }
0x30: {  	s3 =	sld [smem:$0x3FAA]  }
0x31: {  	[smem:$0x3FB3] =	sst s10  }
0x32: {  	s10 =	sld [smem:$0x3FB1];
	_ =	sdelay $0x3  }
0x33: {  	p0 =	seq.s32 s10, $0x1;
	s10 =	sld [smem:$0x3FB3];
	_ =	sdelay $0x3  }
0x34: {  	[smem:$0x3FB3] =	sst s10  }
0x35: {  	s10 =	sld [smem:$0x3FB2];
	_ =	sdelay $0x3  }
0x36: {  	p1 =	seq.s32 s10, $0x1;
	s10 =	sld [smem:$0x3FB3];
	_ =	sdelay $0x3  }
0x37: {  	[smem:$0x3FB3] =	sst s10  }
0x38: {  	s10 =	sld [smem:$0x3FB4]  }
0x39: {  	_ = 	snop;
	(pc) =	sbr.ind lr, $3  }
0x3a: {  	_ = 	snop  }
0x3b: {  	_ = 	snop  }
0x3c: {  	p2 =	seq.s32 s10, $0x1;
	s10 =	sld [smem:$0x3FB3]  }
0x3d: {  	_ =	shalt  }
0x3e: {  	_ =	shalt  }
0x3f: {  	_ =	shalt  }
0x40: {  	_ =	shalt  }
0x41: {  	_ =	shalt  }
0x42: {  	_ =	shalt  }
0x43: {  	_ =	shalt  }
0x44: {  	_ =	shalt  }
0x45: {  	_ =	shalt  }
0x46: {  	_ =	shalt  }
0x47: {  	_ =	shalt  }
0x48: {  	_ =	shalt  }
0x49: {  	_ =	shalt  }
0x4a: {  	_ =	shalt  }
0x4b: {  	_ =	shalt  }
0x4c: {  	_ =	shalt  }
0x4d: {  	_ =	shalt  }
0x4e: {  	_ =	shalt  }
0x4f: {  	_ =	shalt  }
0x50: {  	_ =	shalt  }
0x51: {  	_ =	shalt  }
0x52: {  	_ =	shalt  }
0x53: {  	_ =	shalt  }
0x54: {  	_ =	shalt  }
0x55: {  	_ =	shalt  }
0x56: {  	_ =	shalt  }
0x57: {  	_ =	shalt  }
0x58: {  	_ =	shalt  }
0x59: {  	_ =	shalt  }
0x5a: {  	_ =	shalt  }
0x5b: {  	_ =	shalt  }
0x5c: {  	_ =	shalt  }
0x5d: {  	_ =	shalt  }
0x5e: {  	_ =	shalt  }
0x5f: {  	_ =	shalt  }
0x60: {  	_ =	shalt  }
0x61: {  	_ =	shalt  }
0x62: {  	_ =	shalt  }
0x63: {  	_ =	shalt  }
0x64: {  	_ =	shalt  }
0x65: {  	_ =	shalt  }
0x66: {  	_ =	shalt  }
0x67: {  	_ =	shalt  }
0x68: {  	_ =	shalt  }
0x69: {  	_ =	shalt  }
0x6a: {  	_ =	shalt  }
0x6b: {  	_ =	shalt  }
0x6c: {  	_ =	shalt  }
0x6d: {  	_ =	shalt  }
0x6e: {  	_ =	shalt  }
0x6f: {  	_ =	shalt  }
0x70: {  	_ =	shalt  }
0x71: {  	_ =	shalt  }
0x72: {  	_ =	shalt  }
0x73: {  	_ =	shalt  }
0x74: {  	_ =	shalt  }
0x75: {  	_ =	shalt  }
0x76: {  	_ =	shalt  }
0x77: {  	_ =	shalt  }
0x78: {  	_ =	shalt  }
0x79: {  	_ =	shalt  }
0x7a: {  	_ =	shalt  }
0x7b: {  	_ =	shalt  }
0x7c: {  	_ =	shalt  }
0x7d: {  	_ =	shalt  }
0x7e: {  	_ =	shalt  }
0x7f: {  	_ =	shalt  }
0x80: {  	_ =	shalt  }
0x81: {  	_ =	shalt  }
0x82: {  	_ =	shalt  }
0x83: {  	_ =	shalt  }
0x84: {  	_ =	shalt  }
0x85: {  	_ =	shalt  }
0x86: {  	_ =	shalt  }
0x87: {  	_ =	shalt  }
.Lfunc_end0:
.L_simem_size_0:
called_computation.1_lowered:
.L_overlay_start_0:
0x88: {  	s2 =	sld [smem:$0x3FD9]  }
0x89: {  	s3 =	sld [smem:$0x3FFE];
	_ =	sdelay $0x1  }
0x8a: {  	s1 =	srdreg.scid  }
0x8b: {  	s0 =	sand.u32 $0x1, s1  }
0x8c: {  	s17 =	sshll.u32 s0, $0xA;
	s2 =	sadd.s32 s3, s2  }
0x8d: {  	s2 =	sadd.s32 s2, s17  }
0x8e: {  	[smem:$0x3FBF] =	sst s2  }
0x8f: {  	_ = 	snop  }
0x90: {  	s2 =	sld [smem:$0x3FD0];
	(tm) =	ssettm $0x1  }
0x91: {  	s18 =	sld [smem:$0x3FFB];
	_ =	sdelay $0x3  }
0x92: {  	_ =	strace s18  }
0x93: {  	s3 =	sld [smem:$0x3FFC];
	_ =	sdelay $0x3  }
0x94: {  	_ =	strace s3  }
0x95: {  	s3 =	sld [smem:$0x3FFD];
	_ =	sdelay $0x3  }
0x96: {  	_ =	strace s3  }
0x97: {  	_ =	strace $0x8FFFFFFF  }
0x98: {  	s19 =	sld [smem:$0x3FDB];
	_ =	sdelay $0x1  }
0x99: {  	s4 =	simm.s32 $_scs_section_size  }
0x9a: {  	s5 =	simm.s32 $_size__tile_overlayer_lowered;
	s6 =	simm.s32 $_tile_overlayer_lowered  }
0x9b: {  	s22 =	simm.s32 $0x1BFF;
	s21 =	sshll.u32 s6, $0x1;
	s3 =	sadd.s32 s4, s19  }
0x9c: {  	s7 =	simm.s32 $0x0;
	s20 =	sshll.u32 s5, $0x1;
	s5 =	sadd.s32 s21, s3  }
0x9d: {  	[timem:s7], [sflag:s22] =	dma.local [hbm:s5], s20  }
0x9e: {  	_ =	swait.ge [sflag:s22], s20  }
0x9f: {  	s4 =	ssub.s32 $0x0, s20;
	[sflag:s22] =	ssyncset.done $0x0  }
0xa0: {  	[sflag:s22] =	ssyncadd.s32 s4;
	_ =	sdelay $0x1  }
0xa1: {  	s23 =	simm.s32 $0x1B8B  }
0xa2: {  	_ =	swait.ge [sflag:s23], $0x1  }
0xa3: {  	[sflag:s23] =	ssyncset.done $0x0  }
0xa4: {  	s25 =	simm.s32 $0x1B8E;
	s24 =	sld [smem:$0x3FFE];
	[sflag:s23] =	ssyncadd.s32 $0xFFFFFFFF  }
0xa5: {  	s26 =	simm.s32 $execute0_lowered;
	[smem:$0x3FD2] =	sst s25  }
0xa6: {  	s5 =	sshll.u32 s26, $0x1;
	_ =	strace $0x80000049;
	[dreg:$0x1] =	wrdreg $0xFFFFFFFF  }
0xa7: {  	s28 =	simm.s32 $_size_execute0_lowered;
	s3 =	sadd.s32 s3, s5;
	[dreg:$0x0] =	wrdreg $0x0  }
0xa8: {  	s5 =	sshll.u32 s28, $0x1;
	[dreg:$0x2] =	wrdreg s3  }
0xa9: {  	[dreg:$0x3] =	wrdreg s5  }
0xaa: {  	[dreg:$0x4] =	wrdreg $0xC0  }
0xab: {  	_ =	task [dreg:s7], $0x5FFFF  }
0xac: {  	[dreg:$0x1] =	wrdreg $0xFFFFFFFF  }
0xad: {  	[dreg:$0x0] =	wrdreg $0x60  }
0xae: {  	[dreg:$0x2] =	wrdreg s24  }
0xaf: {  	[dreg:$0x3] =	wrdreg s2  }
0xb0: {  	[dreg:$0x4] =	wrdreg $0xC0000  }
0xb1: {  	[dreg:$0x5] =	wrdreg $0x9  }
0xb2: {  	_ =	task.clear_ibuf [dreg:s7], $0x6FFFF;
	_ =	strace $0x90000049  }
0xb3: {  	s29 =	simm.s32 $0x9;
	_ =	strace $0x8000004B  }
0xb4: {  	_ =	swait.ge [sflag:s29], $0x1  }
0xb5: {  	[sflag:s29] =	ssyncadd.s32 $0xFFFFFFFF  }
0xb6: {  	_ =	strace $0x9000004B  }
0xb7: {  	_ =	sfence  }
0xb8: {  	s30 =	sld [smem:$0x0];
	_ =	sdelay $0x2  }
0xb9: {  	s31 =	sshll.u32 s1, $0xD;
	s1 =	sshrl.u32 s1, $0x2  }
0xba: {  	s3 =	sand.u32 $0x4000, s31;
	s1 =	sadd.s32 s1, s30  }
0xbb: {  	s0 =	sor.u32 s3, s0;
	s1 =	sshll.u32 s1, $0x11  }
0xbc: {  	s0 =	sor.u32 s1, s0  }
0xbd: {  	s0 =	sadd.s32 $0x8F2B, s0  }
0xbe: {  	[sflag:s0] =	ssyncadd.remote.s32 $0x1  }
0xbf: {  	_ =	sfence.sel $0xFFFF  }
0xc0: {  	[dreg:$0x0] =	wrdreg $0xFFFFFFFF;
	(pc) =	sbr.abs _section_cstart, $3  }
0xc1: {  	[dreg:$0x1] =	wrdreg $0xFFFFFFFF  }
0xc2: {  	_ =	task.clear_ibuf [dreg:s7], $0x2FFFF;
	_ =	strace $0x9FFFFFFF  }
0xc3: {  	(tm) =	ssettm $0x7FFFFFFF  }
tec
execute0_lowered:
.L_overlay_start_1:
0x0: {  	(tag) =	ssettag $0x1  }
0x1: {  	s0 =	rddreg [dreg:$0x0]  }
0x2: {  	s3 =	rddreg [dreg:$0x2];
	s1 =	srdreg.scid  }
0x3: {  	s2 =	stileid.u32;
	s4 =	simm.s32 $0x0;
	s15 =	simm.s32 $0x30  }
0x4: {  	s16 =	simm.s32 $0x6000;
	s17 =	simm.s32 $0x7800;
	s18 =	simm.s32 $0x9000  }
0x5: {  	s19 =	simm.s32 $0xA800;
	s20 =	simm.s32 $0x1;
	s21 =	simm.s32 $0x2  }
0x6: {  	s22 =	simm.s32 $0x60;
	s28 =	simm.s32 $0x5C00;
	s29 =	simm.s32 $0x5C80  }
0x7: {  	s30 =	simm.s32 $0x0;
	s1 =	sand.u32 $0x1, s1;
	s5 =	sshll.u32 s2, $0x1  }
0x8: {  	s23 =	sshrl.u32 s2, $0x2;
	[smem:$0x7FF] =	sst s4;
	s25 =	smul.u32 $0x4F000, s2  }
0x9: {  	s26 =	sshll.u32 s2, $0x6;
	s31 =	smul.u32 $0x2780, s2;
	s6 =	sor.u32 s1, s5  }
0xa: {  	s7 =	smul.u32 $0x14000, s23;
	_ =	strace $0x8000004A;
	s5 =	sadd.s32 $0x1C000, s0  }
0xb: {  	s9 =	ssub.s32 $0x2, s1;
	p0 =	seq.s32 s1, $0x1;
	s1 =	simm.s32 $0x6AA00  }
0xc: {  	s23 =	simm.s32 $0x3;
	s24 =	sshll.u32 s6, $0x7;
	s6 =	smul.u32 $0x700, s6  }
0xd: {  	s10 =	sshrl.u32 s9, $0x1;
	s1 =	simm.s32 @!p0 $0x43200;
	s8 =	sand.u32 $0x380, s24  }
0xe: {  	s9 =	ssub.s32 s9, s10;
	s24 =	simm.s32 $0x4;
	s7 =	sor.u32 s7, s8  }
0xf: {  	s8 =	sshrl.u32 s25, $0x2;
	s11 =	sadd.s32 s6, s0;
	s6 =	sor.u32 $0x1C05, s26  }
0x10: {  	s9 =	smax.u32 s9, $0x1;
	s25 =	simm.s32 $0x2760;
	s26 =	simm.s32 $0x2790  }
0x11: {  	s7 =	sshrl.u32 s7, $0x3;
	s12 =	sadd.s32 s8, s3;
	s8 =	sadd.s32 $0xE000, s11  }
0x12: {  	s7 =	sadd.s32 s7, s0;
	s0 =	sadd.s32 s1, s0;
	s11 =	sshrl.u32 s12, $0x3  }
0x13: {  	s12 =	simm.s32 $0x5;
	s7 =	sadd.s32 $0x4000, s7;
	s10 =	sadd.s32 s0, s31  }
.LBB2_1:
0x14: {  	s0 =	rddreg [dreg:$0x1]  }
0x15: {  	[spmem:s11], [sflag:s6] =	dma.local [hbm:s0], $0x2780  }
0x16: {  	_ =	swait.ge [sflag:s12], $0x2780  }
0x17: {  	[sflag:s12] =	ssyncset.done $0x0  }
0x18: {  	s14 =	simm.s32 $0x80;
	s1 =	simm.s32 $0x400;
	[sflag:s12] =	ssyncadd.s32 $0xFFFFD880  }
0x19: {  	[tilespmem:s4], [sflag:$0x5] =	stream.strided.gather [hbm4b:s7+s14], $0x2800, s1, s14, $0x38;
	[tilespmem:$0x1FC00] =	vst v63  }
0x1a: {  	_ =	swait.ge [sflag:s12], $0x2800  }
0x1b: {  	[sflag:s12] =	ssyncset.done $0x0  }
0x1c: {  	s2 =	simm.s32 $0x2800;
	[sflag:s12] =	ssyncadd.s32 $0xFFFFD800  }
0x1d: {  	[tilespmem:s2], [sflag:$0x5] =	stream.linear.gather [hbm4b:s8+s4], $0x3500, $0x38;
	[tilespmem:$0x1FC00] =	vst v63  }
0x1e: {  	_ =	swait.ge [sflag:s12], $0x3500  }
0x1f: {  	[sflag:s12] =	ssyncset.done $0x0  }
0x20: {  	[sflag:s12] =	ssyncadd.s32 $0xFFFFCB00  }
0x21: {  	[bflag:$0x0] =	sbarrier.arrive $0xFFFF  }
0x22: {  	[tilespmem:s16], [sflag:$0x1] =	stream.indirect.gather [hbm4b:s5+s15], $0x80, s4, s15, $0xb8;
	[tilespmem:$0x1FC00] =	vst v63  }
0x23: {  	_ = 	snop  }
0x24: {  	[tilespmem:s17], [sflag:$0x2] =	stream.indirect.gather [hbm4b:s5+s15], $0x80, s15, s15, $0xb8;
	[tilespmem:$0x1FC00] =	vst v63  }
0x25: {  	s13 =	simm.s32 $0x60  }
0x26: {  	[tilespmem:s18], [sflag:$0x3] =	stream.indirect.gather [hbm4b:s5+s15], $0x80, s13, s15, $0xb8;
	[tilespmem:$0x1FC00] =	vst v63  }
0x27: {  	s14 =	simm.s32 $0x90  }
0x28: {  	[tilespmem:s19], [sflag:$0x4] =	stream.indirect.gather [hbm4b:s5+s15], $0x80, s14, s15, $0xb8;
	[tilespmem:$0x1FC00] =	vst v63  }
0x29: {  	_ =	swait.ge [sflag:s20], $0x1800  }
0x2a: {  	[sflag:s20] =	ssyncset.done $0x0  }
0x2b: {  	[sflag:s20] =	ssyncadd.s32 $0xFFFFE800  }
0x2c: {  	_ =	swait.ge [sflag:s21], $0x1800  }
0x2d: {  	[sflag:s21] =	ssyncset.done $0x0  }
0x2e: {  	[sflag:s21] =	ssyncadd.s32 $0xFFFFE800  }
0x2f: {  	[spmem:s3] =	stream.indirect.scatter.add.f32 [tilespmem:s16], [sflag:$0x5], $0x80, s2, s22, $0xb8;
	[tilespmem:$0x1FC00] =	vst v63  }
0x30: {  	_ =	swait.ge [sflag:s12], $0x3000  }
0x31: {  	[sflag:s12] =	ssyncset.done $0x0  }
0x32: {  	s2 =	simm.s32 $0xC0;
	[sflag:s12] =	ssyncadd.s32 $0xFFFFD000  }
0x33: {  	[tilespmem:s16], [sflag:$0x1] =	stream.indirect.gather [hbm4b:s5+s15], $0x80, s2, s15, $0xb8;
	[tilespmem:$0x1FC00] =	vst v63  }
0x34: {  	s13 =	simm.s32 $0xF0  }
0x35: {  	[tilespmem:s17], [sflag:$0x2] =	stream.indirect.gather [hbm4b:s5+s15], $0x80, s13, s15, $0xb8;
	[tilespmem:$0x1FC00] =	vst v63  }
0x36: {  	_ =	swait.ge [sflag:s23], $0x1800  }
0x37: {  	[sflag:s23] =	ssyncset.done $0x0  }
0x38: {  	[sflag:s23] =	ssyncadd.s32 $0xFFFFE800  }
0x39: {  	_ =	swait.ge [sflag:s24], $0x1800  }
0x3a: {  	[sflag:s24] =	ssyncset.done $0x0  }
0x3b: {  	s14 =	simm.s32 $0x2880;
	[sflag:s24] =	ssyncadd.s32 $0xFFFFE800  }
0x3c: {  	[spmem:s3] =	stream.indirect.scatter.add.f32 [tilespmem:s18], [sflag:$0x5], $0x80, s14, s22, $0xb8;
	[tilespmem:$0x1FC00] =	vst v63  }
0x3d: {  	s31 =	simm.s32 $0x2900;
	_ =	swait.ge [sflag:s12], $0x3000  }
0x3e: {  	s0 =	simm.s32 $0xC0;
	s1 =	simm.s32 $0x600;
	[sflag:s12] =	ssyncset.done $0x0  }
.LBB2_2:
0x3f: {  	s2 =	sadd.s32 $0x60, s0  }
0x40: {  	[sflag:s12] =	ssyncadd.s32 $0xFFFFD000;
	s13 =	smov.u32 s1;
	s14 =	sadd.s32 $0x300, s1  }
0x41: {  	[tilespmem:s18], [sflag:$0x3] =	stream.indirect.gather [hbm4b:s5+s15], $0x80, s2, s15, $0xb8;
	[tilespmem:$0x1FC00] =	vst v63  }
0x42: {  	p0 =	sne.s32 s1, $0x9900;
	s1 =	sadd.s32 $0x90, s0  }
0x43: {  	[tilespmem:s19], [sflag:$0x4] =	stream.indirect.gather [hbm4b:s5+s15], $0x80, s1, s15, $0xb8;
	[tilespmem:$0x1FC00] =	vst v63  }
0x44: {  	_ =	swait.ge [sflag:s20], $0x1800  }
0x45: {  	[sflag:s20] =	ssyncset.done $0x0  }
0x46: {  	[sflag:s20] =	ssyncadd.s32 $0xFFFFE800  }
0x47: {  	_ =	swait.ge [sflag:s21], $0x1800  }
0x48: {  	[sflag:s21] =	ssyncset.done $0x0  }
0x49: {  	[sflag:s21] =	ssyncadd.s32 $0xFFFFE800  }
0x4a: {  	[spmem:s3] =	stream.indirect.scatter.add.f32 [tilespmem:s16], [sflag:$0x5], $0x80, s31, s22, $0xb8;
	[tilespmem:$0x1FC00] =	vst v63  }
0x4b: {  	_ =	swait.ge [sflag:s12], $0x3000  }
0x4c: {  	[sflag:s12] =	ssyncset.done $0x0  }
0x4d: {  	s1 =	sadd.s32 $0xC0, s0;
	[sflag:s12] =	ssyncadd.s32 $0xFFFFD000  }
0x4e: {  	[tilespmem:s16], [sflag:$0x1] =	stream.indirect.gather [hbm4b:s5+s15], $0x80, s1, s15, $0xb8;
	[tilespmem:$0x1FC00] =	vst v63  }
0x4f: {  	s0 =	sadd.s32 $0xF0, s0  }
0x50: {  	[tilespmem:s17], [sflag:$0x2] =	stream.indirect.gather [hbm4b:s5+s15], $0x80, s0, s15, $0xb8;
	[tilespmem:$0x1FC00] =	vst v63  }
0x51: {  	_ =	swait.ge [sflag:s23], $0x1800  }
0x52: {  	[sflag:s23] =	ssyncset.done $0x0  }
0x53: {  	[sflag:s23] =	ssyncadd.s32 $0xFFFFE800  }
0x54: {  	_ =	swait.ge [sflag:s24], $0x1800  }
.Ltmp0:
0x55: {  	[sflag:s24] =	ssyncset.done $0x0;
	(pc) =	sbr.rel @p0 .LBB2_2-.Ltmp0, $4  }
0x56: {  	s0 =	sadd.s32 $0x80, s31;
	[sflag:s24] =	ssyncadd.s32 $0xFFFFE800  }
0x57: {  	[spmem:s3] =	stream.indirect.scatter.add.f32 [tilespmem:s18], [sflag:$0x5], $0x80, s0, s22, $0xb8;
	[tilespmem:$0x1FC00] =	vst v63  }
0x58: {  	s1 =	smov.u32 s14;
	_ =	swait.ge [sflag:s12], $0x3000  }
0x59: {  	s31 =	sadd.s32 $0x100, s31;
	s0 =	sshra.s32 s13, $0x2;
	[sflag:s12] =	ssyncset.done $0x0  }
0x5a: {  	s1 =	sadd.s32 $0x60, s0;
	[sflag:s12] =	ssyncadd.s32 $0xFFFFD000  }
0x5b: {  	[tilespmem:s18], [sflag:$0x3] =	stream.indirect.gather [hbm4b:s5+s15], $0x80, s1, s15, $0xb8;
	[tilespmem:$0x1FC00] =	vst v63  }
0x5c: {  	s2 =	sadd.s32 $0x90, s0  }
0x5d: {  	[tilespmem:s19], [sflag:$0x4] =	stream.indirect.gather [hbm4b:s5+s15], $0x80, s2, s15, $0xb8;
	[tilespmem:$0x1FC00] =	vst v63  }
0x5e: {  	_ =	swait.ge [sflag:s20], $0x1800  }
0x5f: {  	[sflag:s20] =	ssyncset.done $0x0  }
0x60: {  	[sflag:s20] =	ssyncadd.s32 $0xFFFFE800  }
0x61: {  	_ =	swait.ge [sflag:s21], $0x1800  }
0x62: {  	[sflag:s21] =	ssyncset.done $0x0  }
0x63: {  	[sflag:s21] =	ssyncadd.s32 $0xFFFFE800  }
0x64: {  	[spmem:s3] =	stream.indirect.scatter.add.f32 [tilespmem:s16], [sflag:$0x5], $0x80, s31, s22, $0xb8;
	[tilespmem:$0x1FC00] =	vst v63  }
0x65: {  	_ =	swait.ge [sflag:s12], $0x3000  }
0x66: {  	[sflag:s12] =	ssyncset.done $0x0  }
0x67: {  	s13 =	sadd.s32 $0xC0, s0;
	[sflag:s12] =	ssyncadd.s32 $0xFFFFD000  }
0x68: {  	[tilespmem:s16], [sflag:$0x1] =	stream.indirect.gather [hbm4b:s5+s15], $0x80, s13, s15, $0xb8;
	[tilespmem:$0x1FC00] =	vst v63  }
0x69: {  	s14 =	sadd.s32 $0xF0, s0  }
0x6a: {  	[tilespmem:s17], [sflag:$0x2] =	stream.indirect.gather [hbm4b:s5+s15], $0x80, s14, s15, $0xb8;
	[tilespmem:$0x1FC00] =	vst v63  }
0x6b: {  	_ =	swait.ge [sflag:s23], $0x1800  }
0x6c: {  	[sflag:s23] =	ssyncset.done $0x0  }
0x6d: {  	[sflag:s23] =	ssyncadd.s32 $0xFFFFE800  }
0x6e: {  	_ =	swait.ge [sflag:s24], $0x1800  }
0x6f: {  	[sflag:s24] =	ssyncset.done $0x0  }
0x70: {  	s31 =	sadd.s32 $0x80, s31;
	[sflag:s24] =	ssyncadd.s32 $0xFFFFE800  }
0x71: {  	[spmem:s3] =	stream.indirect.scatter.add.f32 [tilespmem:s18], [sflag:$0x5], $0x80, s31, s22, $0xb8;
	[tilespmem:$0x1FC00] =	vst v63  }
0x72: {  	_ =	swait.ge [sflag:s12], $0x3000  }
0x73: {  	[sflag:s12] =	ssyncset.done $0x0  }
0x74: {  	[sflag:s12] =	ssyncadd.s32 $0xFFFFD000  }
0x75: {  	[tilespmem:s18], [sflag:$0x3] =	stream.indirect.gather [hbm4b:s5+s15], $0x80, s25, s15, $0xb8;
	[tilespmem:$0x1FC00] =	vst v63  }
0x76: {  	_ = 	snop  }
0x77: {  	[tilespmem:s19], [sflag:$0x4] =	stream.indirect.gather [hbm4b:s5+s15], $0x80, s26, s15, $0xb8;
	[tilespmem:$0x1FC00] =	vst v63  }
0x78: {  	_ =	swait.ge [sflag:s20], $0x1800  }
0x79: {  	[sflag:s20] =	ssyncset.done $0x0  }
0x7a: {  	[sflag:s20] =	ssyncadd.s32 $0xFFFFE800  }
0x7b: {  	_ =	swait.ge [sflag:s21], $0x1800  }
0x7c: {  	[sflag:s21] =	ssyncset.done $0x0  }
0x7d: {  	[sflag:s21] =	ssyncadd.s32 $0xFFFFE800  }
0x7e: {  	[spmem:s3] =	stream.indirect.scatter.add.f32 [tilespmem:s16], [sflag:$0x5], $0x80, s28, s22, $0xb8;
	[tilespmem:$0x1FC00] =	vst v63  }
0x7f: {  	_ =	swait.ge [sflag:s12], $0x3000  }
0x80: {  	[sflag:s12] =	ssyncset.done $0x0  }
0x81: {  	[sflag:s12] =	ssyncadd.s32 $0xFFFFD000  }
0x82: {  	_ =	swait.ge [sflag:s23], $0x1800  }
0x83: {  	[sflag:s23] =	ssyncset.done $0x0  }
0x84: {  	[sflag:s23] =	ssyncadd.s32 $0xFFFFE800  }
0x85: {  	_ =	swait.ge [sflag:s24], $0x1800  }
0x86: {  	[sflag:s24] =	ssyncset.done $0x0  }
0x87: {  	[sflag:s24] =	ssyncadd.s32 $0xFFFFE800  }
0x88: {  	[spmem:s3] =	stream.indirect.scatter.add.f32 [tilespmem:s18], [sflag:$0x5], $0x80, s29, s22, $0xb8;
	[tilespmem:$0x1FC00] =	vst v63  }
0x89: {  	_ =	swait.ge [sflag:s12], $0x3000  }
0x8a: {  	s30 =	sadd.s32 $0x1, s30;
	[sflag:s12] =	ssyncset.done $0x0  }
0x8b: {  	p0 =	sne.s32 s30, s9;
	[sflag:s12] =	ssyncadd.s32 $0xFFFFD000  }
.Ltmp1:
0x8c: {  	[bflag:$0x0] =	sbarrier.arrive $0xFFFF;
	(pc) =	sbr.rel @p0 .LBB2_1-.Ltmp1, $4  }
0x8d: {  	[hbm:s10], [sflag:s6] =	dma.local [spmem:s11], $0x2780  }
0x8e: {  	_ =	swait.ge [sflag:s12], $0x2780  }
0x8f: {  	[sflag:s12] =	ssyncset.done $0x0  }
0x90: {  	[sflag:s12] =	ssyncadd.s32 $0xFFFFD880  }
0x91: {  	_ =	sfence.sel $0x180000  }
0x92: {  	[bflag:$0x0] =	sbarrier.arrive $0xFFFF  }
0x93: {  	_ =	strace $0x9000004A  }
0x94: {  	s0 =	stileid.u32;
	[bflag:$0x2] =	sbarrier.arrive $0xFFFF  }
0x95: {  	p0 =	sne.s32 s0, $0x0;
	s0 =	rddreg [dreg:$0x3]  }
0x96: {  	s0 =	sadd.s32 @!p0 $0x100000, s0  }
0x97: {  	[sflag:s0] =	ssyncadd.tile.s32 @!p0 $0x1;
	_ =	shalt  }
.Lfunc_end2:
_tile_overlayer_lowered:
.L_overlay_start_2:
0x98: {  	(tag) =	ssettag $0x2  }
0x99: {  	s0 =	rddreg [dreg:$0x0];
	s2 =	stileid.u32  }
0x9a: {  	s1 =	rddreg [dreg:$0x1];
	p0 =	sne.s32 s2, $0x0  }
0x9b: {  	s3 =	rddreg [dreg:$0x2];
	[bflag:$0x3] =	sbarrier.arrive $0xFFFF;
	s2 =	simm.s32 @!p0 $0x1C05  }
0x9c: {  	[timem:s3], [sflag:s2] =	dma.local @!p0 [hbm:s0], s1  }
0x9d: {  	s0 =	simm.s32 @!p0 $0x5  }
0x9e: {  	_ =	swait.ge @!p0 [sflag:s0], s1  }
0x9f: {  	s1 =	ssub.s32 @!p0 $0x0, s1;
	[sflag:s0] =	ssyncset.done @!p0 $0x0  }
0xa0: {  	[sflag:s0] =	ssyncadd.s32 @!p0 s1  }
0xa1: {  	[bflag:$0x3] =	sbarrier.arrive $0xFFFF  }
0xa2: {  	_ =	shalt  }

// kernel: kernel.16.cloned.1.call-start
scs
__scs_entry_jumppad:
0x0: {  	(pc) =	sbr.rel $0x88, $3  }
0x1: {  	(tag) =	ssettag $0x0;
	lr =	simm.s32 $0x1  }
0x2: {  	[smem:$0x3F98] =	sst lr;
	_ =	strace $0xD0000000  }
0x3: {  	_ = 	snop  }
0x4: {  	_ = 	snop  }
0x5: {  	_ = 	snop  }
0x6: {  	_ = 	snop  }
0x7: {  	_ = 	snop  }
__scs_overlays_trampoline_lowered:
0x8: {  	[smem:$0x3FA7] =	sst s0  }
0x9: {  	[smem:$0x3FA8] =	sst s1  }
0xa: {  	[smem:$0x3FA9] =	sst s2  }
0xb: {  	[smem:$0x3FAA] =	sst s3  }
0xc: {  	[smem:$0x3FAB] =	sst s4  }
0xd: {  	[smem:$0x3FAC] =	sst s5  }
0xe: {  	[smem:$0x3FAD] =	sst s6  }
0xf: {  	[smem:$0x3FAE] =	sst s7  }
0x10: {  	[smem:$0x3FAF] =	sst s8  }
0x11: {  	[smem:$0x3FB0] =	sst s9;
	s0 =	simm.s32 @!p0 $0x0  }
0x12: {  	s1 =	sld [smem:$0x3F96];
	s0 =	simm.s32 @p0 $0x1  }
0x13: {  	[smem:$0x3FB1] =	sst s0;
	s0 =	simm.s32 @!p1 $0x0  }
0x14: {  	s2 =	sld [smem:$0x3F95];
	s0 =	simm.s32 @p1 $0x1  }
0x15: {  	[smem:$0x3FB2] =	sst s0;
	s0 =	simm.s32 @!p2 $0x0  }
0x16: {  	s3 =	sld [smem:$0x3FDB];
	s0 =	simm.s32 @p2 $0x1  }
0x17: {  	s4 =	simm.s32 $0x1BF5;
	[smem:$0x3FB4] =	sst s0  }
0x18: {  	s0 =	sld [smem:$0x3F97];
	_ =	swait.ge [sflag:s4], $0x0  }
0x19: {  	s7 =	sld [smem:$0x3F98]  }
0x1a: {  	s8 =	sadd.s32 $0xFFFFE003, lr  }
0x1b: {  	s9 =	sadd.s32 $0xFFFFFEF7, lr;
	s5 =	simm.s32 $0xFFFFFFFF;
	p2 =	slt.u32 s8, $0xFFFFF086  }
0x1c: {  	p1 =	slt.u32 s9, $0xF7A;
	s5 =	simm.s32 @!p2 $0x0  }
0x1d: {  	s5 =	simm.s32 @p1 $0x1;
	p0 =	seq.s32 s7, s2  }
0x1e: {  	s7 =	smul.u32 @!p0 $0xF7A, s2;
	p2 =	seq.s32 @!p0 s5, $0x0  }
0x1f: {  	s9 =	smul.u32 $0xF7A, s1;
	s8 =	simm.s32 @!p0 $0x1BF5;
	p2 =	por !p2, p0  }
0x20: {  	[sflag:s8] =	ssyncset.s32 @!p0 $0xFFFFF086;
	s6 =	sadd.s32 @!p0 s3, s7;
	s7 =	simm.s32 @!p0 $0x108  }
0x21: {  	s3 =	sadd.s32 s3, s9;
	s6 =	sadd.s32 @!p0 $0x88, s6;
	s7 =	simm.s32 @p2 $0x1082  }
0x22: {  	[simem:s7], [sflag:s8] =	dma.local @!p0 [hbm:s6], $0xF7A  }
0x23: {  	s9 =	sor.u32 $0xD0000000, s2;
	s6 =	simm.s32 $0x108;
	_ =	swait.ge @!p0 [sflag:s8], $0x0  }
0x24: {  	s3 =	sadd.s32 $0x88, s3;
	s6 =	simm.s32 @!p1 $0x1082;
	[sflag:s4] =	ssyncset.s32 $0xFFFFF086  }
0x25: {  	[simem:s6], [sflag:s4] =	dma.local [hbm:s3], $0xF7A  }
0x26: {  	[smem:$0x3F98] =	sst s1;
	(tag) =	ssettag s2;
	_ =	strace s9  }
0x27: {  	s1 =	sld [smem:$0x3FA8]  }
0x28: {  	s2 =	sld [smem:$0x3FA9]  }
0x29: {  	s4 =	sld [smem:$0x3FAB]  }
0x2a: {  	p0 =	seq.s32 s5, $0x0;
	s5 =	sld [smem:$0x3FAC]  }
0x2b: {  	s6 =	sld [smem:$0x3FAD]  }
0x2c: {  	s7 =	sld [smem:$0x3FAE]  }
0x2d: {  	s3 =	simm.s32 $0x108;
	s8 =	sld [smem:$0x3FAF]  }
0x2e: {  	s3 =	simm.s32 @!p0 $0x1082;
	s9 =	sld [smem:$0x3FB0]  }
0x2f: {  	lr =	sadd.s32 s0, s3;
	s0 =	sld [smem:$0x3FA7]  }
0x30: {  	s3 =	sld [smem:$0x3FAA]  }
0x31: {  	[smem:$0x3FB3] =	sst s10  }
0x32: {  	s10 =	sld [smem:$0x3FB1];
	_ =	sdelay $0x3  }
0x33: {  	p0 =	seq.s32 s10, $0x1;
	s10 =	sld [smem:$0x3FB3];
	_ =	sdelay $0x3  }
0x34: {  	[smem:$0x3FB3] =	sst s10  }
0x35: {  	s10 =	sld [smem:$0x3FB2];
	_ =	sdelay $0x3  }
0x36: {  	p1 =	seq.s32 s10, $0x1;
	s10 =	sld [smem:$0x3FB3];
	_ =	sdelay $0x3  }
0x37: {  	[smem:$0x3FB3] =	sst s10  }
0x38: {  	s10 =	sld [smem:$0x3FB4]  }
0x39: {  	_ = 	snop;
	(pc) =	sbr.ind lr, $3  }
0x3a: {  	_ = 	snop  }
0x3b: {  	_ = 	snop  }
0x3c: {  	p2 =	seq.s32 s10, $0x1;
	s10 =	sld [smem:$0x3FB3]  }
0x3d: {  	_ =	shalt  }
0x3e: {  	_ =	shalt  }
0x3f: {  	_ =	shalt  }
0x40: {  	_ =	shalt  }
0x41: {  	_ =	shalt  }
0x42: {  	_ =	shalt  }
0x43: {  	_ =	shalt  }
0x44: {  	_ =	shalt  }
0x45: {  	_ =	shalt  }
0x46: {  	_ =	shalt  }
0x47: {  	_ =	shalt  }
0x48: {  	_ =	shalt  }
0x49: {  	_ =	shalt  }
0x4a: {  	_ =	shalt  }
0x4b: {  	_ =	shalt  }
0x4c: {  	_ =	shalt  }
0x4d: {  	_ =	shalt  }
0x4e: {  	_ =	shalt  }
0x4f: {  	_ =	shalt  }
0x50: {  	_ =	shalt  }
0x51: {  	_ =	shalt  }
0x52: {  	_ =	shalt  }
0x53: {  	_ =	shalt  }
0x54: {  	_ =	shalt  }
0x55: {  	_ =	shalt  }
0x56: {  	_ =	shalt  }
0x57: {  	_ =	shalt  }
0x58: {  	_ =	shalt  }
0x59: {  	_ =	shalt  }
0x5a: {  	_ =	shalt  }
0x5b: {  	_ =	shalt  }
0x5c: {  	_ =	shalt  }
0x5d: {  	_ =	shalt  }
0x5e: {  	_ =	shalt  }
0x5f: {  	_ =	shalt  }
0x60: {  	_ =	shalt  }
0x61: {  	_ =	shalt  }
0x62: {  	_ =	shalt  }
0x63: {  	_ =	shalt  }
0x64: {  	_ =	shalt  }
0x65: {  	_ =	shalt  }
0x66: {  	_ =	shalt  }
0x67: {  	_ =	shalt  }
0x68: {  	_ =	shalt  }
0x69: {  	_ =	shalt  }
0x6a: {  	_ =	shalt  }
0x6b: {  	_ =	shalt  }
0x6c: {  	_ =	shalt  }
0x6d: {  	_ =	shalt  }
0x6e: {  	_ =	shalt  }
0x6f: {  	_ =	shalt  }
0x70: {  	_ =	shalt  }
0x71: {  	_ =	shalt  }
0x72: {  	_ =	shalt  }
0x73: {  	_ =	shalt  }
0x74: {  	_ =	shalt  }
0x75: {  	_ =	shalt  }
0x76: {  	_ =	shalt  }
0x77: {  	_ =	shalt  }
0x78: {  	_ =	shalt  }
0x79: {  	_ =	shalt  }
0x7a: {  	_ =	shalt  }
0x7b: {  	_ =	shalt  }
0x7c: {  	_ =	shalt  }
0x7d: {  	_ =	shalt  }
0x7e: {  	_ =	shalt  }
0x7f: {  	_ =	shalt  }
0x80: {  	_ =	shalt  }
0x81: {  	_ =	shalt  }
0x82: {  	_ =	shalt  }
0x83: {  	_ =	shalt  }
0x84: {  	_ =	shalt  }
0x85: {  	_ =	shalt  }
0x86: {  	_ =	shalt  }
0x87: {  	_ =	shalt  }
.Lfunc_end0:
.L_simem_size_0:
called_computation.2_lowered:
.L_overlay_start_0:
0x88: {  	s2 =	sld [smem:$0x3FD9]  }
0x89: {  	s3 =	sld [smem:$0x3FFE];
	_ =	sdelay $0x1  }
0x8a: {  	s1 =	srdreg.scid  }
0x8b: {  	s0 =	sand.u32 $0x1, s1  }
0x8c: {  	s17 =	sshll.u32 s0, $0xA;
	s2 =	sadd.s32 s3, s2  }
0x8d: {  	s2 =	sadd.s32 s2, s17  }
0x8e: {  	[smem:$0x3FBF] =	sst s2  }
0x8f: {  	_ = 	snop  }
0x90: {  	s2 =	sld [smem:$0x3FD0];
	(tm) =	ssettm $0x1  }
0x91: {  	s18 =	sld [smem:$0x3FFB];
	_ =	sdelay $0x3  }
0x92: {  	_ =	strace s18  }
0x93: {  	s3 =	sld [smem:$0x3FFC];
	_ =	sdelay $0x3  }
0x94: {  	_ =	strace s3  }
0x95: {  	s3 =	sld [smem:$0x3FFD];
	_ =	sdelay $0x3  }
0x96: {  	_ =	strace s3  }
0x97: {  	_ =	strace $0x8FFFFFFF  }
0x98: {  	s19 =	sld [smem:$0x3FDB];
	_ =	sdelay $0x1  }
0x99: {  	s4 =	simm.s32 $_scs_section_size  }
0x9a: {  	s5 =	simm.s32 $_size__tile_overlayer_lowered;
	s6 =	simm.s32 $_tile_overlayer_lowered  }
0x9b: {  	s22 =	simm.s32 $0x1BFF;
	s21 =	sshll.u32 s6, $0x1;
	s3 =	sadd.s32 s4, s19  }
0x9c: {  	s7 =	simm.s32 $0x0;
	s20 =	sshll.u32 s5, $0x1;
	s5 =	sadd.s32 s21, s3  }
0x9d: {  	[timem:s7], [sflag:s22] =	dma.local [hbm:s5], s20  }
0x9e: {  	_ =	swait.ge [sflag:s22], s20  }
0x9f: {  	s4 =	ssub.s32 $0x0, s20;
	[sflag:s22] =	ssyncset.done $0x0  }
0xa0: {  	[sflag:s22] =	ssyncadd.s32 s4;
	_ =	sdelay $0x1  }
0xa1: {  	s23 =	simm.s32 $0x1B8B  }
0xa2: {  	_ =	swait.ge [sflag:s23], $0x1  }
0xa3: {  	[sflag:s23] =	ssyncset.done $0x0  }
0xa4: {  	s25 =	simm.s32 $0x1B8E;
	s24 =	sld [smem:$0x3FFE];
	[sflag:s23] =	ssyncadd.s32 $0xFFFFFFFF  }
0xa5: {  	s26 =	simm.s32 $execute0_lowered;
	[smem:$0x3FD2] =	sst s25  }
0xa6: {  	s5 =	sshll.u32 s26, $0x1;
	_ =	strace $0x8000004C;
	[dreg:$0x1] =	wrdreg $0xFFFFFFFF  }
0xa7: {  	s28 =	simm.s32 $_size_execute0_lowered;
	s3 =	sadd.s32 s3, s5;
	[dreg:$0x0] =	wrdreg $0x0  }
0xa8: {  	s5 =	sshll.u32 s28, $0x1;
	[dreg:$0x2] =	wrdreg s3  }
0xa9: {  	[dreg:$0x3] =	wrdreg s5  }
0xaa: {  	[dreg:$0x4] =	wrdreg $0xC0  }
0xab: {  	_ =	task [dreg:s7], $0x5FFFF  }
0xac: {  	[dreg:$0x1] =	wrdreg $0xFFFFFFFF  }
0xad: {  	[dreg:$0x0] =	wrdreg $0x60  }
0xae: {  	[dreg:$0x2] =	wrdreg s24  }
0xaf: {  	[dreg:$0x3] =	wrdreg s2  }
0xb0: {  	[dreg:$0x4] =	wrdreg $0xC0000  }
0xb1: {  	[dreg:$0x5] =	wrdreg $0x9  }
0xb2: {  	_ =	task.clear_ibuf [dreg:s7], $0x6FFFF;
	_ =	strace $0x9000004C  }
0xb3: {  	s29 =	simm.s32 $0x9;
	_ =	strace $0x8000004E  }
0xb4: {  	_ =	swait.ge [sflag:s29], $0x1  }
0xb5: {  	[sflag:s29] =	ssyncadd.s32 $0xFFFFFFFF  }
0xb6: {  	_ =	strace $0x9000004E  }
0xb7: {  	_ =	sfence  }
0xb8: {  	s30 =	sld [smem:$0x0];
	_ =	sdelay $0x2  }
0xb9: {  	s31 =	sshll.u32 s1, $0xD;
	s1 =	sshrl.u32 s1, $0x2  }
0xba: {  	s3 =	sand.u32 $0x4000, s31;
	s1 =	sadd.s32 s1, s30  }
0xbb: {  	s0 =	sor.u32 s3, s0;
	s1 =	sshll.u32 s1, $0x11  }
0xbc: {  	s0 =	sor.u32 s1, s0  }
0xbd: {  	s0 =	sadd.s32 $0x8F2B, s0  }
0xbe: {  	[sflag:s0] =	ssyncadd.remote.s32 $0x1  }
0xbf: {  	_ =	sfence.sel $0xFFFF  }
0xc0: {  	[dreg:$0x0] =	wrdreg $0xFFFFFFFF;
	(pc) =	sbr.abs _section_cstart, $3  }
0xc1: {  	[dreg:$0x1] =	wrdreg $0xFFFFFFFF  }
0xc2: {  	_ =	task.clear_ibuf [dreg:s7], $0x2FFFF;
	_ =	strace $0x9FFFFFFF  }
0xc3: {  	(tm) =	ssettm $0x7FFFFFFF  }
tec
execute0_lowered:
.L_overlay_start_1:
0x0: {  	(tag) =	ssettag $0x1  }
0x1: {  	s0 =	rddreg [dreg:$0x0]  }
0x2: {  	s3 =	rddreg [dreg:$0x2];
	s1 =	srdreg.scid  }
0x3: {  	s2 =	stileid.u32;
	s4 =	simm.s32 $0x0;
	s15 =	simm.s32 $0x30  }
0x4: {  	s16 =	simm.s32 $0x6000;
	s17 =	simm.s32 $0x7800;
	s18 =	simm.s32 $0x9000  }
0x5: {  	s19 =	simm.s32 $0xA800;
	s20 =	simm.s32 $0x1;
	s21 =	simm.s32 $0x2  }
0x6: {  	s22 =	simm.s32 $0x60;
	s28 =	simm.s32 $0x5C00;
	s29 =	simm.s32 $0x5C80  }
0x7: {  	s30 =	simm.s32 $0x0;
	s1 =	sand.u32 $0x1, s1;
	s5 =	sshll.u32 s2, $0x1  }
0x8: {  	s23 =	sshrl.u32 s2, $0x2;
	[smem:$0x7FF] =	sst s4;
	s25 =	smul.u32 $0x4F000, s2  }
0x9: {  	s26 =	sshll.u32 s2, $0x6;
	s31 =	smul.u32 $0x2780, s2;
	s6 =	sor.u32 s1, s5  }
0xa: {  	s7 =	smul.u32 $0x14000, s23;
	_ =	strace $0x8000004D;
	s5 =	sadd.s32 $0x1C000, s0  }
0xb: {  	s9 =	ssub.s32 $0x2, s1;
	p0 =	seq.s32 s1, $0x1;
	s1 =	simm.s32 $0x6AA00  }
0xc: {  	s23 =	simm.s32 $0x3;
	s24 =	sshll.u32 s6, $0x7;
	s6 =	smul.u32 $0x700, s6  }
0xd: {  	s10 =	sshrl.u32 s9, $0x1;
	s1 =	simm.s32 @!p0 $0x43200;
	s8 =	sand.u32 $0x380, s24  }
0xe: {  	s9 =	ssub.s32 s9, s10;
	s24 =	simm.s32 $0x4;
	s7 =	sor.u32 s7, s8  }
0xf: {  	s8 =	sshrl.u32 s25, $0x2;
	s11 =	sadd.s32 s6, s0;
	s6 =	sor.u32 $0x1C05, s26  }
0x10: {  	s9 =	smax.u32 s9, $0x1;
	s25 =	simm.s32 $0x2760;
	s26 =	simm.s32 $0x2790  }
0x11: {  	s7 =	sshrl.u32 s7, $0x3;
	s12 =	sadd.s32 s8, s3;
	s8 =	sadd.s32 $0xE000, s11  }
0x12: {  	s7 =	sadd.s32 s7, s0;
	s0 =	sadd.s32 s1, s0;
	s11 =	sshrl.u32 s12, $0x3  }
0x13: {  	s12 =	simm.s32 $0x5;
	s7 =	sadd.s32 $0x4000, s7;
	s10 =	sadd.s32 s0, s31  }
.LBB2_1:
0x14: {  	s0 =	rddreg [dreg:$0x1]  }
0x15: {  	[spmem:s11], [sflag:s6] =	dma.local [hbm:s0], $0x2780  }
0x16: {  	_ =	swait.ge [sflag:s12], $0x2780  }
0x17: {  	[sflag:s12] =	ssyncset.done $0x0  }
0x18: {  	s14 =	simm.s32 $0x80;
	s1 =	simm.s32 $0x400;
	[sflag:s12] =	ssyncadd.s32 $0xFFFFD880  }
0x19: {  	[tilespmem:s4], [sflag:$0x5] =	stream.strided.gather [hbm4b:s7+s14], $0x2800, s1, s14, $0x38;
	[tilespmem:$0x1FC00] =	vst v63  }
0x1a: {  	_ =	swait.ge [sflag:s12], $0x2800  }
0x1b: {  	[sflag:s12] =	ssyncset.done $0x0  }
0x1c: {  	s2 =	simm.s32 $0x2800;
	[sflag:s12] =	ssyncadd.s32 $0xFFFFD800  }
0x1d: {  	[tilespmem:s2], [sflag:$0x5] =	stream.linear.gather [hbm4b:s8+s4], $0x3500, $0x38;
	[tilespmem:$0x1FC00] =	vst v63  }
0x1e: {  	_ =	swait.ge [sflag:s12], $0x3500  }
0x1f: {  	[sflag:s12] =	ssyncset.done $0x0  }
0x20: {  	[sflag:s12] =	ssyncadd.s32 $0xFFFFCB00  }
0x21: {  	[bflag:$0x0] =	sbarrier.arrive $0xFFFF  }
0x22: {  	[tilespmem:s16], [sflag:$0x1] =	stream.indirect.gather [hbm4b:s5+s15], $0x80, s4, s15, $0xb8;
	[tilespmem:$0x1FC00] =	vst v63  }
0x23: {  	_ = 	snop  }
0x24: {  	[tilespmem:s17], [sflag:$0x2] =	stream.indirect.gather [hbm4b:s5+s15], $0x80, s15, s15, $0xb8;
	[tilespmem:$0x1FC00] =	vst v63  }
0x25: {  	s13 =	simm.s32 $0x60  }
0x26: {  	[tilespmem:s18], [sflag:$0x3] =	stream.indirect.gather [hbm4b:s5+s15], $0x80, s13, s15, $0xb8;
	[tilespmem:$0x1FC00] =	vst v63  }
0x27: {  	s14 =	simm.s32 $0x90  }
0x28: {  	[tilespmem:s19], [sflag:$0x4] =	stream.indirect.gather [hbm4b:s5+s15], $0x80, s14, s15, $0xb8;
	[tilespmem:$0x1FC00] =	vst v63  }
0x29: {  	_ =	swait.ge [sflag:s20], $0x1800  }
0x2a: {  	[sflag:s20] =	ssyncset.done $0x0  }
0x2b: {  	[sflag:s20] =	ssyncadd.s32 $0xFFFFE800  }
0x2c: {  	_ =	swait.ge [sflag:s21], $0x1800  }
0x2d: {  	[sflag:s21] =	ssyncset.done $0x0  }
0x2e: {  	[sflag:s21] =	ssyncadd.s32 $0xFFFFE800  }
0x2f: {  	[spmem:s3] =	stream.indirect.scatter.add.f32 [tilespmem:s16], [sflag:$0x5], $0x80, s2, s22, $0xb8;
	[tilespmem:$0x1FC00] =	vst v63  }
0x30: {  	_ =	swait.ge [sflag:s12], $0x3000  }
0x31: {  	[sflag:s12] =	ssyncset.done $0x0  }
0x32: {  	s2 =	simm.s32 $0xC0;
	[sflag:s12] =	ssyncadd.s32 $0xFFFFD000  }
0x33: {  	[tilespmem:s16], [sflag:$0x1] =	stream.indirect.gather [hbm4b:s5+s15], $0x80, s2, s15, $0xb8;
	[tilespmem:$0x1FC00] =	vst v63  }
0x34: {  	s13 =	simm.s32 $0xF0  }
0x35: {  	[tilespmem:s17], [sflag:$0x2] =	stream.indirect.gather [hbm4b:s5+s15], $0x80, s13, s15, $0xb8;
	[tilespmem:$0x1FC00] =	vst v63  }
0x36: {  	_ =	swait.ge [sflag:s23], $0x1800  }
0x37: {  	[sflag:s23] =	ssyncset.done $0x0  }
0x38: {  	[sflag:s23] =	ssyncadd.s32 $0xFFFFE800  }
0x39: {  	_ =	swait.ge [sflag:s24], $0x1800  }
0x3a: {  	[sflag:s24] =	ssyncset.done $0x0  }
0x3b: {  	s14 =	simm.s32 $0x2880;
	[sflag:s24] =	ssyncadd.s32 $0xFFFFE800  }
0x3c: {  	[spmem:s3] =	stream.indirect.scatter.add.f32 [tilespmem:s18], [sflag:$0x5], $0x80, s14, s22, $0xb8;
	[tilespmem:$0x1FC00] =	vst v63  }
0x3d: {  	s31 =	simm.s32 $0x2900;
	_ =	swait.ge [sflag:s12], $0x3000  }
0x3e: {  	s0 =	simm.s32 $0xC0;
	s1 =	simm.s32 $0x600;
	[sflag:s12] =	ssyncset.done $0x0  }
.LBB2_2:
0x3f: {  	s2 =	sadd.s32 $0x60, s0  }
0x40: {  	[sflag:s12] =	ssyncadd.s32 $0xFFFFD000;
	s13 =	smov.u32 s1;
	s14 =	sadd.s32 $0x300, s1  }
0x41: {  	[tilespmem:s18], [sflag:$0x3] =	stream.indirect.gather [hbm4b:s5+s15], $0x80, s2, s15, $0xb8;
	[tilespmem:$0x1FC00] =	vst v63  }
0x42: {  	p0 =	sne.s32 s1, $0x9900;
	s1 =	sadd.s32 $0x90, s0  }
0x43: {  	[tilespmem:s19], [sflag:$0x4] =	stream.indirect.gather [hbm4b:s5+s15], $0x80, s1, s15, $0xb8;
	[tilespmem:$0x1FC00] =	vst v63  }
0x44: {  	_ =	swait.ge [sflag:s20], $0x1800  }
0x45: {  	[sflag:s20] =	ssyncset.done $0x0  }
0x46: {  	[sflag:s20] =	ssyncadd.s32 $0xFFFFE800  }
0x47: {  	_ =	swait.ge [sflag:s21], $0x1800  }
0x48: {  	[sflag:s21] =	ssyncset.done $0x0  }
0x49: {  	[sflag:s21] =	ssyncadd.s32 $0xFFFFE800  }
0x4a: {  	[spmem:s3] =	stream.indirect.scatter.add.f32 [tilespmem:s16], [sflag:$0x5], $0x80, s31, s22, $0xb8;
	[tilespmem:$0x1FC00] =	vst v63  }
0x4b: {  	_ =	swait.ge [sflag:s12], $0x3000  }
0x4c: {  	[sflag:s12] =	ssyncset.done $0x0  }
0x4d: {  	s1 =	sadd.s32 $0xC0, s0;
	[sflag:s12] =	ssyncadd.s32 $0xFFFFD000  }
0x4e: {  	[tilespmem:s16], [sflag:$0x1] =	stream.indirect.gather [hbm4b:s5+s15], $0x80, s1, s15, $0xb8;
	[tilespmem:$0x1FC00] =	vst v63  }
0x4f: {  	s0 =	sadd.s32 $0xF0, s0  }
0x50: {  	[tilespmem:s17], [sflag:$0x2] =	stream.indirect.gather [hbm4b:s5+s15], $0x80, s0, s15, $0xb8;
	[tilespmem:$0x1FC00] =	vst v63  }
0x51: {  	_ =	swait.ge [sflag:s23], $0x1800  }
0x52: {  	[sflag:s23] =	ssyncset.done $0x0  }
0x53: {  	[sflag:s23] =	ssyncadd.s32 $0xFFFFE800  }
0x54: {  	_ =	swait.ge [sflag:s24], $0x1800  }
.Ltmp0:
0x55: {  	[sflag:s24] =	ssyncset.done $0x0;
	(pc) =	sbr.rel @p0 .LBB2_2-.Ltmp0, $4  }
0x56: {  	s0 =	sadd.s32 $0x80, s31;
	[sflag:s24] =	ssyncadd.s32 $0xFFFFE800  }
0x57: {  	[spmem:s3] =	stream.indirect.scatter.add.f32 [tilespmem:s18], [sflag:$0x5], $0x80, s0, s22, $0xb8;
	[tilespmem:$0x1FC00] =	vst v63  }
0x58: {  	s1 =	smov.u32 s14;
	_ =	swait.ge [sflag:s12], $0x3000  }
0x59: {  	s31 =	sadd.s32 $0x100, s31;
	s0 =	sshra.s32 s13, $0x2;
	[sflag:s12] =	ssyncset.done $0x0  }
0x5a: {  	s1 =	sadd.s32 $0x60, s0;
	[sflag:s12] =	ssyncadd.s32 $0xFFFFD000  }
0x5b: {  	[tilespmem:s18], [sflag:$0x3] =	stream.indirect.gather [hbm4b:s5+s15], $0x80, s1, s15, $0xb8;
	[tilespmem:$0x1FC00] =	vst v63  }
0x5c: {  	s2 =	sadd.s32 $0x90, s0  }
0x5d: {  	[tilespmem:s19], [sflag:$0x4] =	stream.indirect.gather [hbm4b:s5+s15], $0x80, s2, s15, $0xb8;
	[tilespmem:$0x1FC00] =	vst v63  }
0x5e: {  	_ =	swait.ge [sflag:s20], $0x1800  }
0x5f: {  	[sflag:s20] =	ssyncset.done $0x0  }
0x60: {  	[sflag:s20] =	ssyncadd.s32 $0xFFFFE800  }
0x61: {  	_ =	swait.ge [sflag:s21], $0x1800  }
0x62: {  	[sflag:s21] =	ssyncset.done $0x0  }
0x63: {  	[sflag:s21] =	ssyncadd.s32 $0xFFFFE800  }
0x64: {  	[spmem:s3] =	stream.indirect.scatter.add.f32 [tilespmem:s16], [sflag:$0x5], $0x80, s31, s22, $0xb8;
	[tilespmem:$0x1FC00] =	vst v63  }
0x65: {  	_ =	swait.ge [sflag:s12], $0x3000  }
0x66: {  	[sflag:s12] =	ssyncset.done $0x0  }
0x67: {  	s13 =	sadd.s32 $0xC0, s0;
	[sflag:s12] =	ssyncadd.s32 $0xFFFFD000  }
0x68: {  	[tilespmem:s16], [sflag:$0x1] =	stream.indirect.gather [hbm4b:s5+s15], $0x80, s13, s15, $0xb8;
	[tilespmem:$0x1FC00] =	vst v63  }
0x69: {  	s14 =	sadd.s32 $0xF0, s0  }
0x6a: {  	[tilespmem:s17], [sflag:$0x2] =	stream.indirect.gather [hbm4b:s5+s15], $0x80, s14, s15, $0xb8;
	[tilespmem:$0x1FC00] =	vst v63  }
0x6b: {  	_ =	swait.ge [sflag:s23], $0x1800  }
0x6c: {  	[sflag:s23] =	ssyncset.done $0x0  }
0x6d: {  	[sflag:s23] =	ssyncadd.s32 $0xFFFFE800  }
0x6e: {  	_ =	swait.ge [sflag:s24], $0x1800  }
0x6f: {  	[sflag:s24] =	ssyncset.done $0x0  }
0x70: {  	s31 =	sadd.s32 $0x80, s31;
	[sflag:s24] =	ssyncadd.s32 $0xFFFFE800  }
0x71: {  	[spmem:s3] =	stream.indirect.scatter.add.f32 [tilespmem:s18], [sflag:$0x5], $0x80, s31, s22, $0xb8;
	[tilespmem:$0x1FC00] =	vst v63  }
0x72: {  	_ =	swait.ge [sflag:s12], $0x3000  }
0x73: {  	[sflag:s12] =	ssyncset.done $0x0  }
0x74: {  	[sflag:s12] =	ssyncadd.s32 $0xFFFFD000  }
0x75: {  	[tilespmem:s18], [sflag:$0x3] =	stream.indirect.gather [hbm4b:s5+s15], $0x80, s25, s15, $0xb8;
	[tilespmem:$0x1FC00] =	vst v63  }
0x76: {  	_ = 	snop  }
0x77: {  	[tilespmem:s19], [sflag:$0x4] =	stream.indirect.gather [hbm4b:s5+s15], $0x80, s26, s15, $0xb8;
	[tilespmem:$0x1FC00] =	vst v63  }
0x78: {  	_ =	swait.ge [sflag:s20], $0x1800  }
0x79: {  	[sflag:s20] =	ssyncset.done $0x0  }
0x7a: {  	[sflag:s20] =	ssyncadd.s32 $0xFFFFE800  }
0x7b: {  	_ =	swait.ge [sflag:s21], $0x1800  }
0x7c: {  	[sflag:s21] =	ssyncset.done $0x0  }
0x7d: {  	[sflag:s21] =	ssyncadd.s32 $0xFFFFE800  }
0x7e: {  	[spmem:s3] =	stream.indirect.scatter.add.f32 [tilespmem:s16], [sflag:$0x5], $0x80, s28, s22, $0xb8;
	[tilespmem:$0x1FC00] =	vst v63  }
0x7f: {  	_ =	swait.ge [sflag:s12], $0x3000  }
0x80: {  	[sflag:s12] =	ssyncset.done $0x0  }
0x81: {  	[sflag:s12] =	ssyncadd.s32 $0xFFFFD000  }
0x82: {  	_ =	swait.ge [sflag:s23], $0x1800  }
0x83: {  	[sflag:s23] =	ssyncset.done $0x0  }
0x84: {  	[sflag:s23] =	ssyncadd.s32 $0xFFFFE800  }
0x85: {  	_ =	swait.ge [sflag:s24], $0x1800  }
0x86: {  	[sflag:s24] =	ssyncset.done $0x0  }
0x87: {  	[sflag:s24] =	ssyncadd.s32 $0xFFFFE800  }
0x88: {  	[spmem:s3] =	stream.indirect.scatter.add.f32 [tilespmem:s18], [sflag:$0x5], $0x80, s29, s22, $0xb8;
	[tilespmem:$0x1FC00] =	vst v63  }
0x89: {  	_ =	swait.ge [sflag:s12], $0x3000  }
0x8a: {  	s30 =	sadd.s32 $0x1, s30;
	[sflag:s12] =	ssyncset.done $0x0  }
0x8b: {  	p0 =	sne.s32 s30, s9;
	[sflag:s12] =	ssyncadd.s32 $0xFFFFD000  }
.Ltmp1:
0x8c: {  	[bflag:$0x0] =	sbarrier.arrive $0xFFFF;
	(pc) =	sbr.rel @p0 .LBB2_1-.Ltmp1, $4  }
0x8d: {  	[hbm:s10], [sflag:s6] =	dma.local [spmem:s11], $0x2780  }
0x8e: {  	_ =	swait.ge [sflag:s12], $0x2780  }
0x8f: {  	[sflag:s12] =	ssyncset.done $0x0  }
0x90: {  	[sflag:s12] =	ssyncadd.s32 $0xFFFFD880  }
0x91: {  	_ =	sfence.sel $0x180000  }
0x92: {  	[bflag:$0x0] =	sbarrier.arrive $0xFFFF  }
0x93: {  	_ =	strace $0x9000004D  }
0x94: {  	s0 =	stileid.u32;
	[bflag:$0x2] =	sbarrier.arrive $0xFFFF  }
0x95: {  	p0 =	sne.s32 s0, $0x0;
	s0 =	rddreg [dreg:$0x3]  }
0x96: {  	s0 =	sadd.s32 @!p0 $0x100000, s0  }
0x97: {  	[sflag:s0] =	ssyncadd.tile.s32 @!p0 $0x1;
	_ =	shalt  }
.Lfunc_end2:
_tile_overlayer_lowered:
.L_overlay_start_2:
0x98: {  	(tag) =	ssettag $0x2  }
0x99: {  	s0 =	rddreg [dreg:$0x0];
	s2 =	stileid.u32  }
0x9a: {  	s1 =	rddreg [dreg:$0x1];
	p0 =	sne.s32 s2, $0x0  }
0x9b: {  	s3 =	rddreg [dreg:$0x2];
	[bflag:$0x3] =	sbarrier.arrive $0xFFFF;
	s2 =	simm.s32 @!p0 $0x1C05  }
0x9c: {  	[timem:s3], [sflag:s2] =	dma.local @!p0 [hbm:s0], s1  }
0x9d: {  	s0 =	simm.s32 @!p0 $0x5  }
0x9e: {  	_ =	swait.ge @!p0 [sflag:s0], s1  }
0x9f: {  	s1 =	ssub.s32 @!p0 $0x0, s1;
	[sflag:s0] =	ssyncset.done @!p0 $0x0  }
0xa0: {  	[sflag:s0] =	ssyncadd.s32 @!p0 s1  }
0xa1: {  	[bflag:$0x3] =	sbarrier.arrive $0xFFFF  }
0xa2: {  	_ =	shalt  }

</sc_bundles>
